<compile_context>
chip_gen: v7x
topology: tpu7x:2x2x1
jax: 0.10.2.dev20260603
libtpu: 0.0.44.dev20260713+nightly
codegen_flags: <defaults>
</compile_context>

<pallas_src>
import functools

import jax
import jax.numpy as jnp
from jax import lax
from jax.experimental import pallas as pl
from jax.experimental.pallas import tpu as pltpu
from jax.experimental.pallas import tpu_sc as plsc

_TBLK = 16384
_C = 256
_S = 128


def _pack2_body(src, dst):
    t = src[...].T
    h = t.shape[0] // 2
    a16 = t[:h].astype(jnp.bfloat16)
    b16 = t[h:].astype(jnp.bfloat16)
    au = lax.bitcast_convert_type(a16, jnp.uint16).astype(jnp.uint32)
    bu = lax.bitcast_convert_type(b16, jnp.uint16).astype(jnp.uint32)
    w = lax.bitwise_or(au, lax.shift_left(bu, jnp.uint32(16))).astype(jnp.int32)
    q = w.shape[0] // 2
    dst[...] = jnp.concatenate([w[:q], w[q:]], axis=1)


@functools.lru_cache(maxsize=None)
def _make_pack2(D, V, blk):
    nb = pl.cdiv(V, blk)
    grid = (nb,)
    return pl.pallas_call(
        _pack2_body,
        grid=grid,
        in_specs=[pl.BlockSpec((D, blk), lambda i: (0, i))],
        out_specs=pl.BlockSpec((blk // 4, 2 * D), lambda i: (i, 0)),
        out_shape=jax.ShapeDtypeStruct((nb * blk // 4, 2 * D), jnp.int32),
    )


def _pack4_body(src, dst):
    t = src[...].T
    q = t.shape[0] // 4
    dst[...] = jnp.concatenate([t[:q], t[q:2 * q], t[2 * q:3 * q], t[3 * q:]], axis=1)


@functools.lru_cache(maxsize=None)
def _make_pack4(D, V):
    return pl.pallas_call(
        _pack4_body,
        in_specs=[pl.BlockSpec((D, V), lambda: (0, 0))],
        out_specs=pl.BlockSpec((V // 4, 4 * D), lambda: (0, 0)),
        out_shape=jax.ShapeDtypeStruct((V // 4, 4 * D), jnp.float32),
    )


@functools.lru_cache(maxsize=None)
def _make_gather(B):
    info = plsc.get_sparse_core_info()
    NC, NS = info.num_cores, info.num_subcores
    NW = NC * NS
    assert B % NW == 0
    BPW = B // NW
    assert BPW % _C == 0 and _C % _S == 0
    NLISTS = BPW // _S
    mesh = plsc.VectorSubcoreMesh(core_axis_name="c", subcore_axis_name="s")

    @functools.partial(
        pl.kernel,
        mesh=mesh,
        out_type=(
            jax.ShapeDtypeStruct((B, 128), jnp.int32),
            jax.ShapeDtypeStruct((B, 128), jnp.float32),
        ),
        scratch_types=[
            pltpu.VMEM((BPW,), jnp.int32),
            pltpu.VMEM((BPW,), jnp.int32),
            pltpu.VMEM((NLISTS, _S), jnp.int32),
            pltpu.VMEM((NLISTS, _S), jnp.int32),
            pltpu.VMEM((_C, 128), jnp.int32),
            pltpu.VMEM((_C, 128), jnp.float32),
            pltpu.SemaphoreType.DMA,
        ],
    )
    def gather2(uid_hbm, cid_hbm, utp_hbm, ctp_hbm,
                u_out, c_out,
                uidx, cidx, ulist, clist, uwide, cwide, sem):
        wid = lax.axis_index("s") * NC + lax.axis_index("c")
        base = wid * BPW
        pltpu.sync_copy(uid_hbm.at[pl.ds(base, BPW)], uidx)
        pltpu.sync_copy(cid_hbm.at[pl.ds(base, BPW)], cidx)
        for g in range(BPW // 16):
            row, col = g // (_S // 16), (g % (_S // 16)) * 16
            sl = pl.ds(g * 16, 16)
            uv = uidx[sl]
            ulist[row, pl.ds(col, 16)] = lax.bitwise_or(
                lax.shift_left(lax.shift_right_logical(uv, 14), 12),
                lax.bitwise_and(uv, 4095))
            clist[row, pl.ds(col, 16)] = lax.bitwise_and(cidx[sl], 255)
        lists_per_chunk = _C // _S
        for ch in range(BPW // _C):
            copies = []
            for j in range(lists_per_chunk):
                k = ch * lists_per_chunk + j
                dst = pl.ds(j * _S, _S)
                copies.append(
                    pltpu.async_copy(utp_hbm.at[ulist.at[k]], uwide.at[dst], sem))
                copies.append(
                    pltpu.async_copy(ctp_hbm.at[clist.at[k]], cwide.at[dst], sem))
            for cp in copies:
                cp.wait()
            off = ch * _C
            pltpu.sync_copy(uwide, u_out.at[pl.ds(base + off, _C)])
            pltpu.sync_copy(cwide, c_out.at[pl.ds(base + off, _C)])

    return gather2


def _mlp_body(uw, cw, uid, cid, mid, mt, w1u, w1c, w1m, b1, w2t, b2, out):
    blk = uw.shape[0]
    uwv = uw[...]
    uidv = uid[...]
    j2 = jnp.bitwise_and(lax.shift_right_logical(uidv, jnp.int32(12)), 1) == 1
    w64 = jnp.where(j2, uwv[:, 64:], uwv[:, :64])
    lo = lax.bitcast_convert_type(lax.shift_left(w64, jnp.int32(16)), jnp.float32)
    hi = lax.bitcast_convert_type(
        lax.bitwise_and(w64, jnp.int32(-65536)), jnp.float32)
    j1 = jnp.bitwise_and(lax.shift_right_logical(uidv, jnp.int32(13)), 1) == 1
    ue = jnp.where(j1, hi, lo)
    cwv = cw[...]
    q = lax.shift_right_logical(cid[...], 8)
    ce = jnp.zeros((blk, 32), jnp.float32)
    for j in range(4):
        mj = (q == j).astype(jnp.float32)
        ce = ce + cwv[:, 32 * j:32 * j + 32] * mj
    moh = (mid[...] == lax.broadcasted_iota(jnp.int32, (blk, 12), 1)
           ).astype(jnp.float32)
    me = jnp.dot(moh, mt[...], preferred_element_type=jnp.float32)
    h = jnp.dot(ue, w1u[...], preferred_element_type=jnp.float32)
    h = h + jnp.dot(ce, w1c[...], preferred_element_type=jnp.float32)
    h = h + jnp.dot(me, w1m[...], preferred_element_type=jnp.float32)
    h = jnp.maximum(h + b1[...], 0.0)
    out[...] = jnp.dot(h, w2t[...], preferred_element_type=jnp.float32) + b2[...]


@functools.lru_cache(maxsize=None)
def _make_mlp(B, H, DO, BLK):
    grid = (B // BLK,)

    def row_block(d):
        return pl.BlockSpec((BLK, d), lambda i: (i, 0))

    def full_block(r, c):
        return pl.BlockSpec((r, c), lambda i: (0, 0))

    return pl.pallas_call(
        _mlp_body,
        grid=grid,
        in_specs=[
            row_block(128), row_block(128),
            row_block(1), row_block(1), row_block(1),
            full_block(12, 16),
            full_block(64, H), full_block(32, H), full_block(16, H),
            full_block(1, H), full_block(H, DO), full_block(1, DO),
        ],
        out_specs=row_block(DO),
        out_shape=jax.ShapeDtypeStruct((B, DO), jnp.float32),
    )


def kernel(user_id, category_id, month, user_table, cat_table, month_table, W1, b1, W2, b2):
    B = user_id.shape[0]
    DU = user_table.shape[1]
    DC = cat_table.shape[1]
    H = W1.shape[0]
    DO = W2.shape[0]

    uid = user_id.astype(jnp.int32)
    cid = category_id.astype(jnp.int32)
    mid = month.astype(jnp.int32)

    utp = _make_pack2(DU, user_table.shape[0], _TBLK)(user_table.T)
    ctt = jnp.pad(cat_table.T, ((0, 0), (0, 1024 - cat_table.shape[0])))
    ctp = _make_pack4(DC, 1024)(ctt)

    uw, cw = _make_gather(B)(uid, cid, utp, ctp)

    W1t = W1.T
    w1u = W1t[:DU]
    w1c = W1t[DU:DU + DC]
    w1m = W1t[DU + DC:]
    mlp = _make_mlp(B, H, DO, 2048)
    return mlp(uw, cw, uid.reshape(B, 1), cid.reshape(B, 1), mid.reshape(B, 1),
               month_table, w1u, w1c, w1m,
               b1.reshape(1, H), W2.T, b2.reshape(1, DO))

# --- scband reference (transcript-rebuilt; emitter-appended) ---
"""Pipeline reference for scband-user-tower-24172075942306 (READ-ONLY COPY).

The authoritative reference and input builder live on the scoring server;
editing this copy changes nothing except your own understanding.
"""

import jax, jax.numpy as jnp
import numpy as np

USER_VOCAB = 1000000
CAT_VOCAB = 1000
MONTH_VOCAB = 12
EMBED_DIM = 64
HIDDEN_DIM = 128
BATCH = 16384


def setup_inputs(seed: int = 0) -> dict:
    key = jax.random.key(seed)
    k_uid, k_cid, k_mid, k_ut, k_ct, k_mt, k_w1, k_b1, k_w2, k_b2 = jax.random.split(key, 10)
    user_id = jax.random.randint(k_uid, (BATCH,), 0, USER_VOCAB, dtype=jnp.int64 if jax.config.jax_enable_x64 else jnp.int32)
    category_id = jax.random.randint(k_cid, (BATCH,), 0, CAT_VOCAB, dtype=jnp.int32)
    month = jax.random.randint(k_mid, (BATCH,), 0, MONTH_VOCAB, dtype=jnp.int32)
    user_table = jax.random.normal(k_ut, (USER_VOCAB, EMBED_DIM), dtype=jnp.float32) * 0.02
    cat_table = jax.random.normal(k_ct, (CAT_VOCAB, EMBED_DIM // 2), dtype=jnp.float32) * 0.02
    month_table = jax.random.normal(k_mt, (MONTH_VOCAB, EMBED_DIM // 4), dtype=jnp.float32) * 0.02
    mlp_in = EMBED_DIM + EMBED_DIM // 2 + EMBED_DIM // 4  # 112
    W1 = jax.random.normal(k_w1, (HIDDEN_DIM, mlp_in), dtype=jnp.float32) * (1.0 / np.sqrt(mlp_in))
    b1 = jax.random.normal(k_b1, (HIDDEN_DIM,), dtype=jnp.float32) * 0.01
    W2 = jax.random.normal(k_w2, (EMBED_DIM, HIDDEN_DIM), dtype=jnp.float32) * (1.0 / np.sqrt(HIDDEN_DIM))
    b2 = jax.random.normal(k_b2, (EMBED_DIM,), dtype=jnp.float32) * 0.01
    return {
        "user_id": user_id,
        "category_id": category_id,
        "month": month,
        "user_table": user_table,
        "cat_table": cat_table,
        "month_table": month_table,
        "W1": W1,
        "b1": b1,
        "W2": W2,
        "b2": b2,
    }


def reference(user_id, category_id, month, user_table, cat_table, month_table, W1, b1, W2, b2):
    user_emb = jnp.take(user_table, user_id, axis=0)
    category_emb = jnp.take(cat_table, category_id, axis=0)
    month_emb = jnp.take(month_table, month, axis=0)
    concat_emb = jnp.concatenate([user_emb, category_emb, month_emb], axis=-1)
    h = concat_emb @ W1.T + b1
    h = jax.nn.relu(h)
    # Dropout is identity in eval mode
    out = h @ W2.T + b2
    return out

if __name__ == "__main__":
    import jax
    _d = setup_inputs()
    print(jax.jit(kernel)(*tuple(_d.values())))

</pallas_src>

<mosaic_0001>
#map = affine_map<(d0, d1) -> (0)>
#map1 = affine_map<(d0, d1) -> (0, 0)>
module attributes {stable_mosaic.version = 14 : i64} {
  func.func @gather2(%arg0: i32, %arg1: i32, %arg2: memref<16384xi32, #tpu.memory_space<hbm>>, %arg3: memref<16384xi32, #tpu.memory_space<hbm>>, %arg4: memref<253952x128xi32, #tpu.memory_space<hbm>>, %arg5: memref<256x128xf32, #tpu.memory_space<hbm>>, %arg6: memref<16384x128xi32, #tpu.memory_space<hbm>>, %arg7: memref<16384x128xf32, #tpu.memory_space<hbm>>, %arg8: memref<512xi32, #tpu.memory_space<vmem>>, %arg9: memref<512xi32, #tpu.memory_space<vmem>>, %arg10: memref<4x128xi32, #tpu.memory_space<vmem>>, %arg11: memref<4x128xi32, #tpu.memory_space<vmem>>, %arg12: memref<256x128xi32, #tpu.memory_space<vmem>>, %arg13: memref<256x128xf32, #tpu.memory_space<vmem>>, %arg14: memref<!tpu.dma_semaphore, #tpu.memory_space<semaphore_mem>>) attributes {dimension_semantics = [#tpu.dimension_semantics<core_parallel>, #tpu.dimension_semantics<subcore_parallel>], iteration_bounds = array<i64: 2, 16>, scalar_prefetch = 0 : i64, scratch_operands = 7 : i64, tpu.core_type = #tpu.core_type<sc_vector_subcore>, window_params = [{transform_indices = #map}, {transform_indices = #map}, {transform_indices = #map1}, {transform_indices = #map1}, {transform_indices = #map1}, {transform_indices = #map1}]} {
    %mul3A = arith.constant 2 : i32
    %mul3A_0 = arith.muli %arg1, %mul3A : i32
    %add3A = arith.addi %mul3A_0, %arg0 : i32
    %mul3A_1 = arith.constant 512 : i32
    %mul3A_2 = arith.muli %add3A, %mul3A_1 : i32
    "tpu.region"() ({
      %run_scoped3A = tpu.sem_alloc : memref<!tpu.dma_semaphore, #tpu.memory_space<semaphore_mem>>
      %dma_start3A_1155 = tpu.memref_slice %arg2[%mul3A_2] : memref<16384xi32, #tpu.memory_space<hbm>> -> memref<512xi32, #tpu.memory_space<hbm>>
      %dma_start3A_1156 = tpu.memref_slice %arg2[%mul3A_2] : memref<16384xi32, #tpu.memory_space<hbm>> -> memref<512xi32, #tpu.memory_space<hbm>>
      tpu.enqueue_dma source(%dma_start3A_1156 : memref<512xi32, #tpu.memory_space<hbm>>) target(%arg8 : memref<512xi32, #tpu.memory_space<vmem>>) target_semaphore(%run_scoped3A : memref<!tpu.dma_semaphore, #tpu.memory_space<semaphore_mem>>)
      %dma_wait3A_1157 = tpu.memref_slice %arg2[%mul3A_2] : memref<16384xi32, #tpu.memory_space<hbm>> -> memref<512xi32, #tpu.memory_space<hbm>>
      %dma_wait3A_1158 = tpu.memref_slice %arg2[%mul3A_2] : memref<16384xi32, #tpu.memory_space<hbm>> -> memref<512xi32, #tpu.memory_space<hbm>>
      tpu.wait_dma2 semaphore(%run_scoped3A : memref<!tpu.dma_semaphore, #tpu.memory_space<semaphore_mem>>) src(%dma_wait3A_1158 : memref<512xi32, #tpu.memory_space<hbm>>) dst(%arg8 : memref<512xi32, #tpu.memory_space<vmem>>)
      tpu.yield
    }) : () -> ()
    "tpu.region"() ({
      %run_scoped3A = tpu.sem_alloc : memref<!tpu.dma_semaphore, #tpu.memory_space<semaphore_mem>>
      %dma_start3A_1155 = tpu.memref_slice %arg3[%mul3A_2] : memref<16384xi32, #tpu.memory_space<hbm>> -> memref<512xi32, #tpu.memory_space<hbm>>
      %dma_start3A_1156 = tpu.memref_slice %arg3[%mul3A_2] : memref<16384xi32, #tpu.memory_space<hbm>> -> memref<512xi32, #tpu.memory_space<hbm>>
      tpu.enqueue_dma source(%dma_start3A_1156 : memref<512xi32, #tpu.memory_space<hbm>>) target(%arg9 : memref<512xi32, #tpu.memory_space<vmem>>) target_semaphore(%run_scoped3A : memref<!tpu.dma_semaphore, #tpu.memory_space<semaphore_mem>>)
      %dma_wait3A_1157 = tpu.memref_slice %arg3[%mul3A_2] : memref<16384xi32, #tpu.memory_space<hbm>> -> memref<512xi32, #tpu.memory_space<hbm>>
      %dma_wait3A_1158 = tpu.memref_slice %arg3[%mul3A_2] : memref<16384xi32, #tpu.memory_space<hbm>> -> memref<512xi32, #tpu.memory_space<hbm>>
      tpu.wait_dma2 semaphore(%run_scoped3A : memref<!tpu.dma_semaphore, #tpu.memory_space<semaphore_mem>>) src(%dma_wait3A_1158 : memref<512xi32, #tpu.memory_space<hbm>>) dst(%arg9 : memref<512xi32, #tpu.memory_space<vmem>>)
      tpu.yield
    }) : () -> ()
    %get3A = arith.constant 0 : index
    %get3A_3 = tpu.vector_load %arg8[%get3A] {strides = array<i32>} : memref<512xi32, #tpu.memory_space<vmem>>, vector<16xi32>,
    %get3A_4 = vector.shape_cast %get3A_3 : vector<16xi32> to vector<16xi32>
    %shift_right_logical3A = arith.constant 14 : i32
    %shift_right_logical3A_5 = vector.broadcast %shift_right_logical3A : i32 to vector<16xi32>
    %shift_right_logical3A_6 = arith.shrui %get3A_4, %shift_right_logical3A_5 : vector<16xi32>
    %shift_left3A = arith.constant 12 : i32
    %shift_left3A_7 = vector.broadcast %shift_left3A : i32 to vector<16xi32>
    %shift_left3A_8 = arith.shli %shift_right_logical3A_6, %shift_left3A_7 : vector<16xi32>
    %and3A = arith.constant 4095 : i32
    %and3A_9 = vector.broadcast %and3A : i32 to vector<16xi32>
    %and3A_10 = arith.andi %get3A_4, %and3A_9 : vector<16xi32>
    %or3A = arith.ori %shift_left3A_8, %and3A_10 : vector<16xi32>
    %swap3A = arith.constant 0 : i32
    %swap3A_11 = arith.index_cast %swap3A : i32 to index
    %swap3A_12 = arith.constant 0 : index
    %swap3A_13 = tpu.vector_load %arg10[%swap3A_11, %swap3A_12] {strides = array<i32>} : memref<4x128xi32, #tpu.memory_space<vmem>>, vector<1x16xi32>,
    %swap3A_14 = vector.shape_cast %swap3A_13 : vector<1x16xi32> to vector<16xi32>
    %swap3A_15 = vector.shape_cast %or3A : vector<16xi32> to vector<1x16xi32>
    tpu.vector_store %arg10[%swap3A_11, %swap3A_12], %swap3A_15 {strides = array<i32>} : memref<4x128xi32, #tpu.memory_space<vmem>>, vector<1x16xi32>,
    %get3A_16 = arith.constant 0 : index
    %get3A_17 = tpu.vector_load %arg9[%get3A_16] {strides = array<i32>} : memref<512xi32, #tpu.memory_space<vmem>>, vector<16xi32>,
    %get3A_18 = vector.shape_cast %get3A_17 : vector<16xi32> to vector<16xi32>
    %and3A_19 = arith.constant 255 : i32
    %and3A_20 = vector.broadcast %and3A_19 : i32 to vector<16xi32>
    %and3A_21 = arith.andi %get3A_18, %and3A_20 : vector<16xi32>
    %swap3A_22 = arith.constant 0 : i32
    %swap3A_23 = arith.index_cast %swap3A_22 : i32 to index
    %swap3A_24 = arith.constant 0 : index
    %swap3A_25 = tpu.vector_load %arg11[%swap3A_23, %swap3A_24] {strides = array<i32>} : memref<4x128xi32, #tpu.memory_space<vmem>>, vector<1x16xi32>,
    %swap3A_26 = vector.shape_cast %swap3A_25 : vector<1x16xi32> to vector<16xi32>
    %swap3A_27 = vector.shape_cast %and3A_21 : vector<16xi32> to vector<1x16xi32>
    tpu.vector_store %arg11[%swap3A_23, %swap3A_24], %swap3A_27 {strides = array<i32>} : memref<4x128xi32, #tpu.memory_space<vmem>>, vector<1x16xi32>,
    %get3A_28 = arith.constant 16 : index
    %get3A_29 = tpu.vector_load %arg8[%get3A_28] {strides = array<i32>} : memref<512xi32, #tpu.memory_space<vmem>>, vector<16xi32>,
    %get3A_30 = vector.shape_cast %get3A_29 : vector<16xi32> to vector<16xi32>
    %shift_right_logical3A_31 = arith.constant 14 : i32
    %shift_right_logical3A_32 = vector.broadcast %shift_right_logical3A_31 : i32 to vector<16xi32>
    %shift_right_logical3A_33 = arith.shrui %get3A_30, %shift_right_logical3A_32 : vector<16xi32>
    %shift_left3A_34 = arith.constant 12 : i32
    %shift_left3A_35 = vector.broadcast %shift_left3A_34 : i32 to vector<16xi32>
    %shift_left3A_36 = arith.shli %shift_right_logical3A_33, %shift_left3A_35 : vector<16xi32>
    %and3A_37 = arith.constant 4095 : i32
    %and3A_38 = vector.broadcast %and3A_37 : i32 to vector<16xi32>
    %and3A_39 = arith.andi %get3A_30, %and3A_38 : vector<16xi32>
    %or3A_40 = arith.ori %shift_left3A_36, %and3A_39 : vector<16xi32>
    %swap3A_41 = arith.constant 0 : i32
    %swap3A_42 = arith.index_cast %swap3A_41 : i32 to index
    %swap3A_43 = arith.constant 16 : index
    %swap3A_44 = tpu.vector_load %arg10[%swap3A_42, %swap3A_43] {strides = array<i32>} : memref<4x128xi32, #tpu.memory_space<vmem>>, vector<1x16xi32>,
    %swap3A_45 = vector.shape_cast %swap3A_44 : vector<1x16xi32> to vector<16xi32>
    %swap3A_46 = vector.shape_cast %or3A_40 : vector<16xi32> to vector<1x16xi32>
    tpu.vector_store %arg10[%swap3A_42, %swap3A_43], %swap3A_46 {strides = array<i32>} : memref<4x128xi32, #tpu.memory_space<vmem>>, vector<1x16xi32>,
    %get3A_47 = arith.constant 16 : index
    %get3A_48 = tpu.vector_load %arg9[%get3A_47] {strides = array<i32>} : memref<512xi32, #tpu.memory_space<vmem>>, vector<16xi32>,
    %get3A_49 = vector.shape_cast %get3A_48 : vector<16xi32> to vector<16xi32>
    %and3A_50 = arith.constant 255 : i32
    %and3A_51 = vector.broadcast %and3A_50 : i32 to vector<16xi32>
    %and3A_52 = arith.andi %get3A_49, %and3A_51 : vector<16xi32>
    %swap3A_53 = arith.constant 0 : i32
    %swap3A_54 = arith.index_cast %swap3A_53 : i32 to index
    %swap3A_55 = arith.constant 16 : index
    %swap3A_56 = tpu.vector_load %arg11[%swap3A_54, %swap3A_55] {strides = array<i32>} : memref<4x128xi32, #tpu.memory_space<vmem>>, vector<1x16xi32>,
    %swap3A_57 = vector.shape_cast %swap3A_56 : vector<1x16xi32> to vector<16xi32>
    %swap3A_58 = vector.shape_cast %and3A_52 : vector<16xi32> to vector<1x16xi32>
    tpu.vector_store %arg11[%swap3A_54, %swap3A_55], %swap3A_58 {strides = array<i32>} : memref<4x128xi32, #tpu.memory_space<vmem>>, vector<1x16xi32>,
    %get3A_59 = arith.constant 32 : index
    %get3A_60 = tpu.vector_load %arg8[%get3A_59] {strides = array<i32>} : memref<512xi32, #tpu.memory_space<vmem>>, vector<16xi32>,
    %get3A_61 = vector.shape_cast %get3A_60 : vector<16xi32> to vector<16xi32>
    %shift_right_logical3A_62 = arith.constant 14 : i32
    %shift_right_logical3A_63 = vector.broadcast %shift_right_logical3A_62 : i32 to vector<16xi32>
    %shift_right_logical3A_64 = arith.shrui %get3A_61, %shift_right_logical3A_63 : vector<16xi32>
    %shift_left3A_65 = arith.constant 12 : i32
    %shift_left3A_66 = vector.broadcast %shift_left3A_65 : i32 to vector<16xi32>
    %shift_left3A_67 = arith.shli %shift_right_logical3A_64, %shift_left3A_66 : vector<16xi32>
    %and3A_68 = arith.constant 4095 : i32
    %and3A_69 = vector.broadcast %and3A_68 : i32 to vector<16xi32>
    %and3A_70 = arith.andi %get3A_61, %and3A_69 : vector<16xi32>
    %or3A_71 = arith.ori %shift_left3A_67, %and3A_70 : vector<16xi32>
    %swap3A_72 = arith.constant 0 : i32
    %swap3A_73 = arith.index_cast %swap3A_72 : i32 to index
    %swap3A_74 = arith.constant 32 : index
    %swap3A_75 = tpu.vector_load %arg10[%swap3A_73, %swap3A_74] {strides = array<i32>} : memref<4x128xi32, #tpu.memory_space<vmem>>, vector<1x16xi32>,
    %swap3A_76 = vector.shape_cast %swap3A_75 : vector<1x16xi32> to vector<16xi32>
    %swap3A_77 = vector.shape_cast %or3A_71 : vector<16xi32> to vector<1x16xi32>
    tpu.vector_store %arg10[%swap3A_73, %swap3A_74], %swap3A_77 {strides = array<i32>} : memref<4x128xi32, #tpu.memory_space<vmem>>, vector<1x16xi32>,
    %get3A_78 = arith.constant 32 : index
    %get3A_79 = tpu.vector_load %arg9[%get3A_78] {strides = array<i32>} : memref<512xi32, #tpu.memory_space<vmem>>, vector<16xi32>,
    %get3A_80 = vector.shape_cast %get3A_79 : vector<16xi32> to vector<16xi32>
    %and3A_81 = arith.constant 255 : i32
    %and3A_82 = vector.broadcast %and3A_81 : i32 to vector<16xi32>
    %and3A_83 = arith.andi %get3A_80, %and3A_82 : vector<16xi32>
    %swap3A_84 = arith.constant 0 : i32
    %swap3A_85 = arith.index_cast %swap3A_84 : i32 to index
    %swap3A_86 = arith.constant 32 : index
    %swap3A_87 = tpu.vector_load %arg11[%swap3A_85, %swap3A_86] {strides = array<i32>} : memref<4x128xi32, #tpu.memory_space<vmem>>, vector<1x16xi32>,
    %swap3A_88 = vector.shape_cast %swap3A_87 : vector<1x16xi32> to vector<16xi32>
    %swap3A_89 = vector.shape_cast %and3A_83 : vector<16xi32> to vector<1x16xi32>
    tpu.vector_store %arg11[%swap3A_85, %swap3A_86], %swap3A_89 {strides = array<i32>} : memref<4x128xi32, #tpu.memory_space<vmem>>, vector<1x16xi32>,
    %get3A_90 = arith.constant 48 : index
    %get3A_91 = tpu.vector_load %arg8[%get3A_90] {strides = array<i32>} : memref<512xi32, #tpu.memory_space<vmem>>, vector<16xi32>,
    %get3A_92 = vector.shape_cast %get3A_91 : vector<16xi32> to vector<16xi32>
    %shift_right_logical3A_93 = arith.constant 14 : i32
    %shift_right_logical3A_94 = vector.broadcast %shift_right_logical3A_93 : i32 to vector<16xi32>
    %shift_right_logical3A_95 = arith.shrui %get3A_92, %shift_right_logical3A_94 : vector<16xi32>
    %shift_left3A_96 = arith.constant 12 : i32
    %shift_left3A_97 = vector.broadcast %shift_left3A_96 : i32 to vector<16xi32>
    %shift_left3A_98 = arith.shli %shift_right_logical3A_95, %shift_left3A_97 : vector<16xi32>
    %and3A_99 = arith.constant 4095 : i32
    %and3A_100 = vector.broadcast %and3A_99 : i32 to vector<16xi32>
    %and3A_101 = arith.andi %get3A_92, %and3A_100 : vector<16xi32>
    %or3A_102 = arith.ori %shift_left3A_98, %and3A_101 : vector<16xi32>
    %swap3A_103 = arith.constant 0 : i32
    %swap3A_104 = arith.index_cast %swap3A_103 : i32 to index
    %swap3A_105 = arith.constant 48 : index
    %swap3A_106 = tpu.vector_load %arg10[%swap3A_104, %swap3A_105] {strides = array<i32>} : memref<4x128xi32, #tpu.memory_space<vmem>>, vector<1x16xi32>,
    %swap3A_107 = vector.shape_cast %swap3A_106 : vector<1x16xi32> to vector<16xi32>
    %swap3A_108 = vector.shape_cast %or3A_102 : vector<16xi32> to vector<1x16xi32>
    tpu.vector_store %arg10[%swap3A_104, %swap3A_105], %swap3A_108 {strides = array<i32>} : memref<4x128xi32, #tpu.memory_space<vmem>>, vector<1x16xi32>,
    %get3A_109 = arith.constant 48 : index
    %get3A_110 = tpu.vector_load %arg9[%get3A_109] {strides = array<i32>} : memref<512xi32, #tpu.memory_space<vmem>>, vector<16xi32>,
    %get3A_111 = vector.shape_cast %get3A_110 : vector<16xi32> to vector<16xi32>
    %and3A_112 = arith.constant 255 : i32
    %and3A_113 = vector.broadcast %and3A_112 : i32 to vector<16xi32>
    %and3A_114 = arith.andi %get3A_111, %and3A_113 : vector<16xi32>
    %swap3A_115 = arith.constant 0 : i32
    %swap3A_116 = arith.index_cast %swap3A_115 : i32 to index
    %swap3A_117 = arith.constant 48 : index
    %swap3A_118 = tpu.vector_load %arg11[%swap3A_116, %swap3A_117] {strides = array<i32>} : memref<4x128xi32, #tpu.memory_space<vmem>>, vector<1x16xi32>,
    %swap3A_119 = vector.shape_cast %swap3A_118 : vector<1x16xi32> to vector<16xi32>
    %swap3A_120 = vector.shape_cast %and3A_114 : vector<16xi32> to vector<1x16xi32>
    tpu.vector_store %arg11[%swap3A_116, %swap3A_117], %swap3A_120 {strides = array<i32>} : memref<4x128xi32, #tpu.memory_space<vmem>>, vector<1x16xi32>,
    %get3A_121 = arith.constant 64 : index
    %get3A_122 = tpu.vector_load %arg8[%get3A_121] {strides = array<i32>} : memref<512xi32, #tpu.memory_space<vmem>>, vector<16xi32>,
    %get3A_123 = vector.shape_cast %get3A_122 : vector<16xi32> to vector<16xi32>
    %shift_right_logical3A_124 = arith.constant 14 : i32
    %shift_right_logical3A_125 = vector.broadcast %shift_right_logical3A_124 : i32 to vector<16xi32>
    %shift_right_logical3A_126 = arith.shrui %get3A_123, %shift_right_logical3A_125 : vector<16xi32>
    %shift_left3A_127 = arith.constant 12 : i32
    %shift_left3A_128 = vector.broadcast %shift_left3A_127 : i32 to vector<16xi32>
    %shift_left3A_129 = arith.shli %shift_right_logical3A_126, %shift_left3A_128 : vector<16xi32>
    %and3A_130 = arith.constant 4095 : i32
    %and3A_131 = vector.broadcast %and3A_130 : i32 to vector<16xi32>
    %and3A_132 = arith.andi %get3A_123, %and3A_131 : vector<16xi32>
    %or3A_133 = arith.ori %shift_left3A_129, %and3A_132 : vector<16xi32>
    %swap3A_134 = arith.constant 0 : i32
    %swap3A_135 = arith.index_cast %swap3A_134 : i32 to index
    %swap3A_136 = arith.constant 64 : index
    %swap3A_137 = tpu.vector_load %arg10[%swap3A_135, %swap3A_136] {strides = array<i32>} : memref<4x128xi32, #tpu.memory_space<vmem>>, vector<1x16xi32>,
    %swap3A_138 = vector.shape_cast %swap3A_137 : vector<1x16xi32> to vector<16xi32>
    %swap3A_139 = vector.shape_cast %or3A_133 : vector<16xi32> to vector<1x16xi32>
    tpu.vector_store %arg10[%swap3A_135, %swap3A_136], %swap3A_139 {strides = array<i32>} : memref<4x128xi32, #tpu.memory_space<vmem>>, vector<1x16xi32>,
    %get3A_140 = arith.constant 64 : index
    %get3A_141 = tpu.vector_load %arg9[%get3A_140] {strides = array<i32>} : memref<512xi32, #tpu.memory_space<vmem>>, vector<16xi32>,
    %get3A_142 = vector.shape_cast %get3A_141 : vector<16xi32> to vector<16xi32>
    %and3A_143 = arith.constant 255 : i32
    %and3A_144 = vector.broadcast %and3A_143 : i32 to vector<16xi32>
    %and3A_145 = arith.andi %get3A_142, %and3A_144 : vector<16xi32>
    %swap3A_146 = arith.constant 0 : i32
    %swap3A_147 = arith.index_cast %swap3A_146 : i32 to index
    %swap3A_148 = arith.constant 64 : index
    %swap3A_149 = tpu.vector_load %arg11[%swap3A_147, %swap3A_148] {strides = array<i32>} : memref<4x128xi32, #tpu.memory_space<vmem>>, vector<1x16xi32>,
    %swap3A_150 = vector.shape_cast %swap3A_149 : vector<1x16xi32> to vector<16xi32>
    %swap3A_151 = vector.shape_cast %and3A_145 : vector<16xi32> to vector<1x16xi32>
    tpu.vector_store %arg11[%swap3A_147, %swap3A_148], %swap3A_151 {strides = array<i32>} : memref<4x128xi32, #tpu.memory_space<vmem>>, vector<1x16xi32>,
    %get3A_152 = arith.constant 80 : index
    %get3A_153 = tpu.vector_load %arg8[%get3A_152] {strides = array<i32>} : memref<512xi32, #tpu.memory_space<vmem>>, vector<16xi32>,
    %get3A_154 = vector.shape_cast %get3A_153 : vector<16xi32> to vector<16xi32>
    %shift_right_logical3A_155 = arith.constant 14 : i32
    %shift_right_logical3A_156 = vector.broadcast %shift_right_logical3A_155 : i32 to vector<16xi32>
    %shift_right_logical3A_157 = arith.shrui %get3A_154, %shift_right_logical3A_156 : vector<16xi32>
    %shift_left3A_158 = arith.constant 12 : i32
    %shift_left3A_159 = vector.broadcast %shift_left3A_158 : i32 to vector<16xi32>
    %shift_left3A_160 = arith.shli %shift_right_logical3A_157, %shift_left3A_159 : vector<16xi32>
    %and3A_161 = arith.constant 4095 : i32
    %and3A_162 = vector.broadcast %and3A_161 : i32 to vector<16xi32>
    %and3A_163 = arith.andi %get3A_154, %and3A_162 : vector<16xi32>
    %or3A_164 = arith.ori %shift_left3A_160, %and3A_163 : vector<16xi32>
    %swap3A_165 = arith.constant 0 : i32
    %swap3A_166 = arith.index_cast %swap3A_165 : i32 to index
    %swap3A_167 = arith.constant 80 : index
    %swap3A_168 = tpu.vector_load %arg10[%swap3A_166, %swap3A_167] {strides = array<i32>} : memref<4x128xi32, #tpu.memory_space<vmem>>, vector<1x16xi32>,
    %swap3A_169 = vector.shape_cast %swap3A_168 : vector<1x16xi32> to vector<16xi32>
    %swap3A_170 = vector.shape_cast %or3A_164 : vector<16xi32> to vector<1x16xi32>
    tpu.vector_store %arg10[%swap3A_166, %swap3A_167], %swap3A_170 {strides = array<i32>} : memref<4x128xi32, #tpu.memory_space<vmem>>, vector<1x16xi32>,
    %get3A_171 = arith.constant 80 : index
    %get3A_172 = tpu.vector_load %arg9[%get3A_171] {strides = array<i32>} : memref<512xi32, #tpu.memory_space<vmem>>, vector<16xi32>,
    %get3A_173 = vector.shape_cast %get3A_172 : vector<16xi32> to vector<16xi32>
    %and3A_174 = arith.constant 255 : i32
    %and3A_175 = vector.broadcast %and3A_174 : i32 to vector<16xi32>
    %and3A_176 = arith.andi %get3A_173, %and3A_175 : vector<16xi32>
    %swap3A_177 = arith.constant 0 : i32
    %swap3A_178 = arith.index_cast %swap3A_177 : i32 to index
    %swap3A_179 = arith.constant 80 : index
    %swap3A_180 = tpu.vector_load %arg11[%swap3A_178, %swap3A_179] {strides = array<i32>} : memref<4x128xi32, #tpu.memory_space<vmem>>, vector<1x16xi32>,
    %swap3A_181 = vector.shape_cast %swap3A_180 : vector<1x16xi32> to vector<16xi32>
    %swap3A_182 = vector.shape_cast %and3A_176 : vector<16xi32> to vector<1x16xi32>
    tpu.vector_store %arg11[%swap3A_178, %swap3A_179], %swap3A_182 {strides = array<i32>} : memref<4x128xi32, #tpu.memory_space<vmem>>, vector<1x16xi32>,
    %get3A_183 = arith.constant 96 : index
    %get3A_184 = tpu.vector_load %arg8[%get3A_183] {strides = array<i32>} : memref<512xi32, #tpu.memory_space<vmem>>, vector<16xi32>,
    %get3A_185 = vector.shape_cast %get3A_184 : vector<16xi32> to vector<16xi32>
    %shift_right_logical3A_186 = arith.constant 14 : i32
    %shift_right_logical3A_187 = vector.broadcast %shift_right_logical3A_186 : i32 to vector<16xi32>
    %shift_right_logical3A_188 = arith.shrui %get3A_185, %shift_right_logical3A_187 : vector<16xi32>
    %shift_left3A_189 = arith.constant 12 : i32
    %shift_left3A_190 = vector.broadcast %shift_left3A_189 : i32 to vector<16xi32>
    %shift_left3A_191 = arith.shli %shift_right_logical3A_188, %shift_left3A_190 : vector<16xi32>
    %and3A_192 = arith.constant 4095 : i32
    %and3A_193 = vector.broadcast %and3A_192 : i32 to vector<16xi32>
    %and3A_194 = arith.andi %get3A_185, %and3A_193 : vector<16xi32>
    %or3A_195 = arith.ori %shift_left3A_191, %and3A_194 : vector<16xi32>
    %swap3A_196 = arith.constant 0 : i32
    %swap3A_197 = arith.index_cast %swap3A_196 : i32 to index
    %swap3A_198 = arith.constant 96 : index
    %swap3A_199 = tpu.vector_load %arg10[%swap3A_197, %swap3A_198] {strides = array<i32>} : memref<4x128xi32, #tpu.memory_space<vmem>>, vector<1x16xi32>,
    %swap3A_200 = vector.shape_cast %swap3A_199 : vector<1x16xi32> to vector<16xi32>
    %swap3A_201 = vector.shape_cast %or3A_195 : vector<16xi32> to vector<1x16xi32>
    tpu.vector_store %arg10[%swap3A_197, %swap3A_198], %swap3A_201 {strides = array<i32>} : memref<4x128xi32, #tpu.memory_space<vmem>>, vector<1x16xi32>,
    %get3A_202 = arith.constant 96 : index
    %get3A_203 = tpu.vector_load %arg9[%get3A_202] {strides = array<i32>} : memref<512xi32, #tpu.memory_space<vmem>>, vector<16xi32>,
    %get3A_204 = vector.shape_cast %get3A_203 : vector<16xi32> to vector<16xi32>
    %and3A_205 = arith.constant 255 : i32
    %and3A_206 = vector.broadcast %and3A_205 : i32 to vector<16xi32>
    %and3A_207 = arith.andi %get3A_204, %and3A_206 : vector<16xi32>
    %swap3A_208 = arith.constant 0 : i32
    %swap3A_209 = arith.index_cast %swap3A_208 : i32 to index
    %swap3A_210 = arith.constant 96 : index
    %swap3A_211 = tpu.vector_load %arg11[%swap3A_209, %swap3A_210] {strides = array<i32>} : memref<4x128xi32, #tpu.memory_space<vmem>>, vector<1x16xi32>,
    %swap3A_212 = vector.shape_cast %swap3A_211 : vector<1x16xi32> to vector<16xi32>
    %swap3A_213 = vector.shape_cast %and3A_207 : vector<16xi32> to vector<1x16xi32>
    tpu.vector_store %arg11[%swap3A_209, %swap3A_210], %swap3A_213 {strides = array<i32>} : memref<4x128xi32, #tpu.memory_space<vmem>>, vector<1x16xi32>,
    %get3A_214 = arith.constant 112 : index
    %get3A_215 = tpu.vector_load %arg8[%get3A_214] {strides = array<i32>} : memref<512xi32, #tpu.memory_space<vmem>>, vector<16xi32>,
    %get3A_216 = vector.shape_cast %get3A_215 : vector<16xi32> to vector<16xi32>
    %shift_right_logical3A_217 = arith.constant 14 : i32
    %shift_right_logical3A_218 = vector.broadcast %shift_right_logical3A_217 : i32 to vector<16xi32>
    %shift_right_logical3A_219 = arith.shrui %get3A_216, %shift_right_logical3A_218 : vector<16xi32>
    %shift_left3A_220 = arith.constant 12 : i32
    %shift_left3A_221 = vector.broadcast %shift_left3A_220 : i32 to vector<16xi32>
    %shift_left3A_222 = arith.shli %shift_right_logical3A_219, %shift_left3A_221 : vector<16xi32>
    %and3A_223 = arith.constant 4095 : i32
    %and3A_224 = vector.broadcast %and3A_223 : i32 to vector<16xi32>
    %and3A_225 = arith.andi %get3A_216, %and3A_224 : vector<16xi32>
    %or3A_226 = arith.ori %shift_left3A_222, %and3A_225 : vector<16xi32>
    %swap3A_227 = arith.constant 0 : i32
    %swap3A_228 = arith.index_cast %swap3A_227 : i32 to index
    %swap3A_229 = arith.constant 112 : index
    %swap3A_230 = tpu.vector_load %arg10[%swap3A_228, %swap3A_229] {strides = array<i32>} : memref<4x128xi32, #tpu.memory_space<vmem>>, vector<1x16xi32>,
    %swap3A_231 = vector.shape_cast %swap3A_230 : vector<1x16xi32> to vector<16xi32>
    %swap3A_232 = vector.shape_cast %or3A_226 : vector<16xi32> to vector<1x16xi32>
    tpu.vector_store %arg10[%swap3A_228, %swap3A_229], %swap3A_232 {strides = array<i32>} : memref<4x128xi32, #tpu.memory_space<vmem>>, vector<1x16xi32>,
    %get3A_233 = arith.constant 112 : index
    %get3A_234 = tpu.vector_load %arg9[%get3A_233] {strides = array<i32>} : memref<512xi32, #tpu.memory_space<vmem>>, vector<16xi32>,
    %get3A_235 = vector.shape_cast %get3A_234 : vector<16xi32> to vector<16xi32>
    %and3A_236 = arith.constant 255 : i32
    %and3A_237 = vector.broadcast %and3A_236 : i32 to vector<16xi32>
    %and3A_238 = arith.andi %get3A_235, %and3A_237 : vector<16xi32>
    %swap3A_239 = arith.constant 0 : i32
    %swap3A_240 = arith.index_cast %swap3A_239 : i32 to index
    %swap3A_241 = arith.constant 112 : index
    %swap3A_242 = tpu.vector_load %arg11[%swap3A_240, %swap3A_241] {strides = array<i32>} : memref<4x128xi32, #tpu.memory_space<vmem>>, vector<1x16xi32>,
    %swap3A_243 = vector.shape_cast %swap3A_242 : vector<1x16xi32> to vector<16xi32>
    %swap3A_244 = vector.shape_cast %and3A_238 : vector<16xi32> to vector<1x16xi32>
    tpu.vector_store %arg11[%swap3A_240, %swap3A_241], %swap3A_244 {strides = array<i32>} : memref<4x128xi32, #tpu.memory_space<vmem>>, vector<1x16xi32>,
    %get3A_245 = arith.constant 128 : index
    %get3A_246 = tpu.vector_load %arg8[%get3A_245] {strides = array<i32>} : memref<512xi32, #tpu.memory_space<vmem>>, vector<16xi32>,
    %get3A_247 = vector.shape_cast %get3A_246 : vector<16xi32> to vector<16xi32>
    %shift_right_logical3A_248 = arith.constant 14 : i32
    %shift_right_logical3A_249 = vector.broadcast %shift_right_logical3A_248 : i32 to vector<16xi32>
    %shift_right_logical3A_250 = arith.shrui %get3A_247, %shift_right_logical3A_249 : vector<16xi32>
    %shift_left3A_251 = arith.constant 12 : i32
    %shift_left3A_252 = vector.broadcast %shift_left3A_251 : i32 to vector<16xi32>
    %shift_left3A_253 = arith.shli %shift_right_logical3A_250, %shift_left3A_252 : vector<16xi32>
    %and3A_254 = arith.constant 4095 : i32
    %and3A_255 = vector.broadcast %and3A_254 : i32 to vector<16xi32>
    %and3A_256 = arith.andi %get3A_247, %and3A_255 : vector<16xi32>
    %or3A_257 = arith.ori %shift_left3A_253, %and3A_256 : vector<16xi32>
    %swap3A_258 = arith.constant 1 : i32
    %swap3A_259 = arith.index_cast %swap3A_258 : i32 to index
    %swap3A_260 = arith.constant 0 : index
    %swap3A_261 = tpu.vector_load %arg10[%swap3A_259, %swap3A_260] {strides = array<i32>} : memref<4x128xi32, #tpu.memory_space<vmem>>, vector<1x16xi32>,
    %swap3A_262 = vector.shape_cast %swap3A_261 : vector<1x16xi32> to vector<16xi32>
    %swap3A_263 = vector.shape_cast %or3A_257 : vector<16xi32> to vector<1x16xi32>
    tpu.vector_store %arg10[%swap3A_259, %swap3A_260], %swap3A_263 {strides = array<i32>} : memref<4x128xi32, #tpu.memory_space<vmem>>, vector<1x16xi32>,
    %get3A_264 = arith.constant 128 : index
    %get3A_265 = tpu.vector_load %arg9[%get3A_264] {strides = array<i32>} : memref<512xi32, #tpu.memory_space<vmem>>, vector<16xi32>,
    %get3A_266 = vector.shape_cast %get3A_265 : vector<16xi32> to vector<16xi32>
    %and3A_267 = arith.constant 255 : i32
    %and3A_268 = vector.broadcast %and3A_267 : i32 to vector<16xi32>
    %and3A_269 = arith.andi %get3A_266, %and3A_268 : vector<16xi32>
    %swap3A_270 = arith.constant 1 : i32
    %swap3A_271 = arith.index_cast %swap3A_270 : i32 to index
    %swap3A_272 = arith.constant 0 : index
    %swap3A_273 = tpu.vector_load %arg11[%swap3A_271, %swap3A_272] {strides = array<i32>} : memref<4x128xi32, #tpu.memory_space<vmem>>, vector<1x16xi32>,
    %swap3A_274 = vector.shape_cast %swap3A_273 : vector<1x16xi32> to vector<16xi32>
    %swap3A_275 = vector.shape_cast %and3A_269 : vector<16xi32> to vector<1x16xi32>
    tpu.vector_store %arg11[%swap3A_271, %swap3A_272], %swap3A_275 {strides = array<i32>} : memref<4x128xi32, #tpu.memory_space<vmem>>, vector<1x16xi32>,
    %get3A_276 = arith.constant 144 : index
    %get3A_277 = tpu.vector_load %arg8[%get3A_276] {strides = array<i32>} : memref<512xi32, #tpu.memory_space<vmem>>, vector<16xi32>,
    %get3A_278 = vector.shape_cast %get3A_277 : vector<16xi32> to vector<16xi32>
    %shift_right_logical3A_279 = arith.constant 14 : i32
    %shift_right_logical3A_280 = vector.broadcast %shift_right_logical3A_279 : i32 to vector<16xi32>
    %shift_right_logical3A_281 = arith.shrui %get3A_278, %shift_right_logical3A_280 : vector<16xi32>
    %shift_left3A_282 = arith.constant 12 : i32
    %shift_left3A_283 = vector.broadcast %shift_left3A_282 : i32 to vector<16xi32>
    %shift_left3A_284 = arith.shli %shift_right_logical3A_281, %shift_left3A_283 : vector<16xi32>
    %and3A_285 = arith.constant 4095 : i32
    %and3A_286 = vector.broadcast %and3A_285 : i32 to vector<16xi32>
    %and3A_287 = arith.andi %get3A_278, %and3A_286 : vector<16xi32>
    %or3A_288 = arith.ori %shift_left3A_284, %and3A_287 : vector<16xi32>
    %swap3A_289 = arith.constant 1 : i32
    %swap3A_290 = arith.index_cast %swap3A_289 : i32 to index
    %swap3A_291 = arith.constant 16 : index
    %swap3A_292 = tpu.vector_load %arg10[%swap3A_290, %swap3A_291] {strides = array<i32>} : memref<4x128xi32, #tpu.memory_space<vmem>>, vector<1x16xi32>,
    %swap3A_293 = vector.shape_cast %swap3A_292 : vector<1x16xi32> to vector<16xi32>
    %swap3A_294 = vector.shape_cast %or3A_288 : vector<16xi32> to vector<1x16xi32>
    tpu.vector_store %arg10[%swap3A_290, %swap3A_291], %swap3A_294 {strides = array<i32>} : memref<4x128xi32, #tpu.memory_space<vmem>>, vector<1x16xi32>,
    %get3A_295 = arith.constant 144 : index
    %get3A_296 = tpu.vector_load %arg9[%get3A_295] {strides = array<i32>} : memref<512xi32, #tpu.memory_space<vmem>>, vector<16xi32>,
    %get3A_297 = vector.shape_cast %get3A_296 : vector<16xi32> to vector<16xi32>
    %and3A_298 = arith.constant 255 : i32
    %and3A_299 = vector.broadcast %and3A_298 : i32 to vector<16xi32>
    %and3A_300 = arith.andi %get3A_297, %and3A_299 : vector<16xi32>
    %swap3A_301 = arith.constant 1 : i32
    %swap3A_302 = arith.index_cast %swap3A_301 : i32 to index
    %swap3A_303 = arith.constant 16 : index
    %swap3A_304 = tpu.vector_load %arg11[%swap3A_302, %swap3A_303] {strides = array<i32>} : memref<4x128xi32, #tpu.memory_space<vmem>>, vector<1x16xi32>,
    %swap3A_305 = vector.shape_cast %swap3A_304 : vector<1x16xi32> to vector<16xi32>
    %swap3A_306 = vector.shape_cast %and3A_300 : vector<16xi32> to vector<1x16xi32>
    tpu.vector_store %arg11[%swap3A_302, %swap3A_303], %swap3A_306 {strides = array<i32>} : memref<4x128xi32, #tpu.memory_space<vmem>>, vector<1x16xi32>,
    %get3A_307 = arith.constant 160 : index
    %get3A_308 = tpu.vector_load %arg8[%get3A_307] {strides = array<i32>} : memref<512xi32, #tpu.memory_space<vmem>>, vector<16xi32>,
    %get3A_309 = vector.shape_cast %get3A_308 : vector<16xi32> to vector<16xi32>
    %shift_right_logical3A_310 = arith.constant 14 : i32
    %shift_right_logical3A_311 = vector.broadcast %shift_right_logical3A_310 : i32 to vector<16xi32>
    %shift_right_logical3A_312 = arith.shrui %get3A_309, %shift_right_logical3A_311 : vector<16xi32>
    %shift_left3A_313 = arith.constant 12 : i32
    %shift_left3A_314 = vector.broadcast %shift_left3A_313 : i32 to vector<16xi32>
    %shift_left3A_315 = arith.shli %shift_right_logical3A_312, %shift_left3A_314 : vector<16xi32>
    %and3A_316 = arith.constant 4095 : i32
    %and3A_317 = vector.broadcast %and3A_316 : i32 to vector<16xi32>
    %and3A_318 = arith.andi %get3A_309, %and3A_317 : vector<16xi32>
    %or3A_319 = arith.ori %shift_left3A_315, %and3A_318 : vector<16xi32>
    %swap3A_320 = arith.constant 1 : i32
    %swap3A_321 = arith.index_cast %swap3A_320 : i32 to index
    %swap3A_322 = arith.constant 32 : index
    %swap3A_323 = tpu.vector_load %arg10[%swap3A_321, %swap3A_322] {strides = array<i32>} : memref<4x128xi32, #tpu.memory_space<vmem>>, vector<1x16xi32>,
    %swap3A_324 = vector.shape_cast %swap3A_323 : vector<1x16xi32> to vector<16xi32>
    %swap3A_325 = vector.shape_cast %or3A_319 : vector<16xi32> to vector<1x16xi32>
    tpu.vector_store %arg10[%swap3A_321, %swap3A_322], %swap3A_325 {strides = array<i32>} : memref<4x128xi32, #tpu.memory_space<vmem>>, vector<1x16xi32>,
    %get3A_326 = arith.constant 160 : index
    %get3A_327 = tpu.vector_load %arg9[%get3A_326] {strides = array<i32>} : memref<512xi32, #tpu.memory_space<vmem>>, vector<16xi32>,
    %get3A_328 = vector.shape_cast %get3A_327 : vector<16xi32> to vector<16xi32>
    %and3A_329 = arith.constant 255 : i32
    %and3A_330 = vector.broadcast %and3A_329 : i32 to vector<16xi32>
    %and3A_331 = arith.andi %get3A_328, %and3A_330 : vector<16xi32>
    %swap3A_332 = arith.constant 1 : i32
    %swap3A_333 = arith.index_cast %swap3A_332 : i32 to index
    %swap3A_334 = arith.constant 32 : index
    %swap3A_335 = tpu.vector_load %arg11[%swap3A_333, %swap3A_334] {strides = array<i32>} : memref<4x128xi32, #tpu.memory_space<vmem>>, vector<1x16xi32>,
    %swap3A_336 = vector.shape_cast %swap3A_335 : vector<1x16xi32> to vector<16xi32>
    %swap3A_337 = vector.shape_cast %and3A_331 : vector<16xi32> to vector<1x16xi32>
    tpu.vector_store %arg11[%swap3A_333, %swap3A_334], %swap3A_337 {strides = array<i32>} : memref<4x128xi32, #tpu.memory_space<vmem>>, vector<1x16xi32>,
    %get3A_338 = arith.constant 176 : index
    %get3A_339 = tpu.vector_load %arg8[%get3A_338] {strides = array<i32>} : memref<512xi32, #tpu.memory_space<vmem>>, vector<16xi32>,
    %get3A_340 = vector.shape_cast %get3A_339 : vector<16xi32> to vector<16xi32>
    %shift_right_logical3A_341 = arith.constant 14 : i32
    %shift_right_logical3A_342 = vector.broadcast %shift_right_logical3A_341 : i32 to vector<16xi32>
    %shift_right_logical3A_343 = arith.shrui %get3A_340, %shift_right_logical3A_342 : vector<16xi32>
    %shift_left3A_344 = arith.constant 12 : i32
    %shift_left3A_345 = vector.broadcast %shift_left3A_344 : i32 to vector<16xi32>
    %shift_left3A_346 = arith.shli %shift_right_logical3A_343, %shift_left3A_345 : vector<16xi32>
    %and3A_347 = arith.constant 4095 : i32
    %and3A_348 = vector.broadcast %and3A_347 : i32 to vector<16xi32>
    %and3A_349 = arith.andi %get3A_340, %and3A_348 : vector<16xi32>
    %or3A_350 = arith.ori %shift_left3A_346, %and3A_349 : vector<16xi32>
    %swap3A_351 = arith.constant 1 : i32
    %swap3A_352 = arith.index_cast %swap3A_351 : i32 to index
    %swap3A_353 = arith.constant 48 : index
    %swap3A_354 = tpu.vector_load %arg10[%swap3A_352, %swap3A_353] {strides = array<i32>} : memref<4x128xi32, #tpu.memory_space<vmem>>, vector<1x16xi32>,
    %swap3A_355 = vector.shape_cast %swap3A_354 : vector<1x16xi32> to vector<16xi32>
    %swap3A_356 = vector.shape_cast %or3A_350 : vector<16xi32> to vector<1x16xi32>
    tpu.vector_store %arg10[%swap3A_352, %swap3A_353], %swap3A_356 {strides = array<i32>} : memref<4x128xi32, #tpu.memory_space<vmem>>, vector<1x16xi32>,
    %get3A_357 = arith.constant 176 : index
    %get3A_358 = tpu.vector_load %arg9[%get3A_357] {strides = array<i32>} : memref<512xi32, #tpu.memory_space<vmem>>, vector<16xi32>,
    %get3A_359 = vector.shape_cast %get3A_358 : vector<16xi32> to vector<16xi32>
    %and3A_360 = arith.constant 255 : i32
    %and3A_361 = vector.broadcast %and3A_360 : i32 to vector<16xi32>
    %and3A_362 = arith.andi %get3A_359, %and3A_361 : vector<16xi32>
    %swap3A_363 = arith.constant 1 : i32
    %swap3A_364 = arith.index_cast %swap3A_363 : i32 to index
    %swap3A_365 = arith.constant 48 : index
    %swap3A_366 = tpu.vector_load %arg11[%swap3A_364, %swap3A_365] {strides = array<i32>} : memref<4x128xi32, #tpu.memory_space<vmem>>, vector<1x16xi32>,
    %swap3A_367 = vector.shape_cast %swap3A_366 : vector<1x16xi32> to vector<16xi32>
    %swap3A_368 = vector.shape_cast %and3A_362 : vector<16xi32> to vector<1x16xi32>
    tpu.vector_store %arg11[%swap3A_364, %swap3A_365], %swap3A_368 {strides = array<i32>} : memref<4x128xi32, #tpu.memory_space<vmem>>, vector<1x16xi32>,
    %get3A_369 = arith.constant 192 : index
    %get3A_370 = tpu.vector_load %arg8[%get3A_369] {strides = array<i32>} : memref<512xi32, #tpu.memory_space<vmem>>, vector<16xi32>,
    %get3A_371 = vector.shape_cast %get3A_370 : vector<16xi32> to vector<16xi32>
    %shift_right_logical3A_372 = arith.constant 14 : i32
    %shift_right_logical3A_373 = vector.broadcast %shift_right_logical3A_372 : i32 to vector<16xi32>
    %shift_right_logical3A_374 = arith.shrui %get3A_371, %shift_right_logical3A_373 : vector<16xi32>
    %shift_left3A_375 = arith.constant 12 : i32
    %shift_left3A_376 = vector.broadcast %shift_left3A_375 : i32 to vector<16xi32>
    %shift_left3A_377 = arith.shli %shift_right_logical3A_374, %shift_left3A_376 : vector<16xi32>
    %and3A_378 = arith.constant 4095 : i32
    %and3A_379 = vector.broadcast %and3A_378 : i32 to vector<16xi32>
    %and3A_380 = arith.andi %get3A_371, %and3A_379 : vector<16xi32>
    %or3A_381 = arith.ori %shift_left3A_377, %and3A_380 : vector<16xi32>
    %swap3A_382 = arith.constant 1 : i32
    %swap3A_383 = arith.index_cast %swap3A_382 : i32 to index
    %swap3A_384 = arith.constant 64 : index
    %swap3A_385 = tpu.vector_load %arg10[%swap3A_383, %swap3A_384] {strides = array<i32>} : memref<4x128xi32, #tpu.memory_space<vmem>>, vector<1x16xi32>,
    %swap3A_386 = vector.shape_cast %swap3A_385 : vector<1x16xi32> to vector<16xi32>
    %swap3A_387 = vector.shape_cast %or3A_381 : vector<16xi32> to vector<1x16xi32>
    tpu.vector_store %arg10[%swap3A_383, %swap3A_384], %swap3A_387 {strides = array<i32>} : memref<4x128xi32, #tpu.memory_space<vmem>>, vector<1x16xi32>,
    %get3A_388 = arith.constant 192 : index
    %get3A_389 = tpu.vector_load %arg9[%get3A_388] {strides = array<i32>} : memref<512xi32, #tpu.memory_space<vmem>>, vector<16xi32>,
    %get3A_390 = vector.shape_cast %get3A_389 : vector<16xi32> to vector<16xi32>
    %and3A_391 = arith.constant 255 : i32
    %and3A_392 = vector.broadcast %and3A_391 : i32 to vector<16xi32>
    %and3A_393 = arith.andi %get3A_390, %and3A_392 : vector<16xi32>
    %swap3A_394 = arith.constant 1 : i32
    %swap3A_395 = arith.index_cast %swap3A_394 : i32 to index
    %swap3A_396 = arith.constant 64 : index
    %swap3A_397 = tpu.vector_load %arg11[%swap3A_395, %swap3A_396] {strides = array<i32>} : memref<4x128xi32, #tpu.memory_space<vmem>>, vector<1x16xi32>,
    %swap3A_398 = vector.shape_cast %swap3A_397 : vector<1x16xi32> to vector<16xi32>
    %swap3A_399 = vector.shape_cast %and3A_393 : vector<16xi32> to vector<1x16xi32>
    tpu.vector_store %arg11[%swap3A_395, %swap3A_396], %swap3A_399 {strides = array<i32>} : memref<4x128xi32, #tpu.memory_space<vmem>>, vector<1x16xi32>,
    %get3A_400 = arith.constant 208 : index
    %get3A_401 = tpu.vector_load %arg8[%get3A_400] {strides = array<i32>} : memref<512xi32, #tpu.memory_space<vmem>>, vector<16xi32>,
    %get3A_402 = vector.shape_cast %get3A_401 : vector<16xi32> to vector<16xi32>
    %shift_right_logical3A_403 = arith.constant 14 : i32
    %shift_right_logical3A_404 = vector.broadcast %shift_right_logical3A_403 : i32 to vector<16xi32>
    %shift_right_logical3A_405 = arith.shrui %get3A_402, %shift_right_logical3A_404 : vector<16xi32>
    %shift_left3A_406 = arith.constant 12 : i32
    %shift_left3A_407 = vector.broadcast %shift_left3A_406 : i32 to vector<16xi32>
    %shift_left3A_408 = arith.shli %shift_right_logical3A_405, %shift_left3A_407 : vector<16xi32>
    %and3A_409 = arith.constant 4095 : i32
    %and3A_410 = vector.broadcast %and3A_409 : i32 to vector<16xi32>
    %and3A_411 = arith.andi %get3A_402, %and3A_410 : vector<16xi32>
    %or3A_412 = arith.ori %shift_left3A_408, %and3A_411 : vector<16xi32>
    %swap3A_413 = arith.constant 1 : i32
    %swap3A_414 = arith.index_cast %swap3A_413 : i32 to index
    %swap3A_415 = arith.constant 80 : index
    %swap3A_416 = tpu.vector_load %arg10[%swap3A_414, %swap3A_415] {strides = array<i32>} : memref<4x128xi32, #tpu.memory_space<vmem>>, vector<1x16xi32>,
    %swap3A_417 = vector.shape_cast %swap3A_416 : vector<1x16xi32> to vector<16xi32>
    %swap3A_418 = vector.shape_cast %or3A_412 : vector<16xi32> to vector<1x16xi32>
    tpu.vector_store %arg10[%swap3A_414, %swap3A_415], %swap3A_418 {strides = array<i32>} : memref<4x128xi32, #tpu.memory_space<vmem>>, vector<1x16xi32>,
    %get3A_419 = arith.constant 208 : index
    %get3A_420 = tpu.vector_load %arg9[%get3A_419] {strides = array<i32>} : memref<512xi32, #tpu.memory_space<vmem>>, vector<16xi32>,
    %get3A_421 = vector.shape_cast %get3A_420 : vector<16xi32> to vector<16xi32>
    %and3A_422 = arith.constant 255 : i32
    %and3A_423 = vector.broadcast %and3A_422 : i32 to vector<16xi32>
    %and3A_424 = arith.andi %get3A_421, %and3A_423 : vector<16xi32>
    %swap3A_425 = arith.constant 1 : i32
    %swap3A_426 = arith.index_cast %swap3A_425 : i32 to index
    %swap3A_427 = arith.constant 80 : index
    %swap3A_428 = tpu.vector_load %arg11[%swap3A_426, %swap3A_427] {strides = array<i32>} : memref<4x128xi32, #tpu.memory_space<vmem>>, vector<1x16xi32>,
    %swap3A_429 = vector.shape_cast %swap3A_428 : vector<1x16xi32> to vector<16xi32>
    %swap3A_430 = vector.shape_cast %and3A_424 : vector<16xi32> to vector<1x16xi32>
    tpu.vector_store %arg11[%swap3A_426, %swap3A_427], %swap3A_430 {strides = array<i32>} : memref<4x128xi32, #tpu.memory_space<vmem>>, vector<1x16xi32>,
    %get3A_431 = arith.constant 224 : index
    %get3A_432 = tpu.vector_load %arg8[%get3A_431] {strides = array<i32>} : memref<512xi32, #tpu.memory_space<vmem>>, vector<16xi32>,
    %get3A_433 = vector.shape_cast %get3A_432 : vector<16xi32> to vector<16xi32>
    %shift_right_logical3A_434 = arith.constant 14 : i32
    %shift_right_logical3A_435 = vector.broadcast %shift_right_logical3A_434 : i32 to vector<16xi32>
    %shift_right_logical3A_436 = arith.shrui %get3A_433, %shift_right_logical3A_435 : vector<16xi32>
    %shift_left3A_437 = arith.constant 12 : i32
    %shift_left3A_438 = vector.broadcast %shift_left3A_437 : i32 to vector<16xi32>
    %shift_left3A_439 = arith.shli %shift_right_logical3A_436, %shift_left3A_438 : vector<16xi32>
    %and3A_440 = arith.constant 4095 : i32
    %and3A_441 = vector.broadcast %and3A_440 : i32 to vector<16xi32>
    %and3A_442 = arith.andi %get3A_433, %and3A_441 : vector<16xi32>
    %or3A_443 = arith.ori %shift_left3A_439, %and3A_442 : vector<16xi32>
    %swap3A_444 = arith.constant 1 : i32
    %swap3A_445 = arith.index_cast %swap3A_444 : i32 to index
    %swap3A_446 = arith.constant 96 : index
    %swap3A_447 = tpu.vector_load %arg10[%swap3A_445, %swap3A_446] {strides = array<i32>} : memref<4x128xi32, #tpu.memory_space<vmem>>, vector<1x16xi32>,
    %swap3A_448 = vector.shape_cast %swap3A_447 : vector<1x16xi32> to vector<16xi32>
    %swap3A_449 = vector.shape_cast %or3A_443 : vector<16xi32> to vector<1x16xi32>
    tpu.vector_store %arg10[%swap3A_445, %swap3A_446], %swap3A_449 {strides = array<i32>} : memref<4x128xi32, #tpu.memory_space<vmem>>, vector<1x16xi32>,
    %get3A_450 = arith.constant 224 : index
    %get3A_451 = tpu.vector_load %arg9[%get3A_450] {strides = array<i32>} : memref<512xi32, #tpu.memory_space<vmem>>, vector<16xi32>,
    %get3A_452 = vector.shape_cast %get3A_451 : vector<16xi32> to vector<16xi32>
    %and3A_453 = arith.constant 255 : i32
    %and3A_454 = vector.broadcast %and3A_453 : i32 to vector<16xi32>
    %and3A_455 = arith.andi %get3A_452, %and3A_454 : vector<16xi32>
    %swap3A_456 = arith.constant 1 : i32
    %swap3A_457 = arith.index_cast %swap3A_456 : i32 to index
    %swap3A_458 = arith.constant 96 : index
    %swap3A_459 = tpu.vector_load %arg11[%swap3A_457, %swap3A_458] {strides = array<i32>} : memref<4x128xi32, #tpu.memory_space<vmem>>, vector<1x16xi32>,
    %swap3A_460 = vector.shape_cast %swap3A_459 : vector<1x16xi32> to vector<16xi32>
    %swap3A_461 = vector.shape_cast %and3A_455 : vector<16xi32> to vector<1x16xi32>
    tpu.vector_store %arg11[%swap3A_457, %swap3A_458], %swap3A_461 {strides = array<i32>} : memref<4x128xi32, #tpu.memory_space<vmem>>, vector<1x16xi32>,
    %get3A_462 = arith.constant 240 : index
    %get3A_463 = tpu.vector_load %arg8[%get3A_462] {strides = array<i32>} : memref<512xi32, #tpu.memory_space<vmem>>, vector<16xi32>,
    %get3A_464 = vector.shape_cast %get3A_463 : vector<16xi32> to vector<16xi32>
    %shift_right_logical3A_465 = arith.constant 14 : i32
    %shift_right_logical3A_466 = vector.broadcast %shift_right_logical3A_465 : i32 to vector<16xi32>
    %shift_right_logical3A_467 = arith.shrui %get3A_464, %shift_right_logical3A_466 : vector<16xi32>
    %shift_left3A_468 = arith.constant 12 : i32
    %shift_left3A_469 = vector.broadcast %shift_left3A_468 : i32 to vector<16xi32>
    %shift_left3A_470 = arith.shli %shift_right_logical3A_467, %shift_left3A_469 : vector<16xi32>
    %and3A_471 = arith.constant 4095 : i32
    %and3A_472 = vector.broadcast %and3A_471 : i32 to vector<16xi32>
    %and3A_473 = arith.andi %get3A_464, %and3A_472 : vector<16xi32>
    %or3A_474 = arith.ori %shift_left3A_470, %and3A_473 : vector<16xi32>
    %swap3A_475 = arith.constant 1 : i32
    %swap3A_476 = arith.index_cast %swap3A_475 : i32 to index
    %swap3A_477 = arith.constant 112 : index
    %swap3A_478 = tpu.vector_load %arg10[%swap3A_476, %swap3A_477] {strides = array<i32>} : memref<4x128xi32, #tpu.memory_space<vmem>>, vector<1x16xi32>,
    %swap3A_479 = vector.shape_cast %swap3A_478 : vector<1x16xi32> to vector<16xi32>
    %swap3A_480 = vector.shape_cast %or3A_474 : vector<16xi32> to vector<1x16xi32>
    tpu.vector_store %arg10[%swap3A_476, %swap3A_477], %swap3A_480 {strides = array<i32>} : memref<4x128xi32, #tpu.memory_space<vmem>>, vector<1x16xi32>,
    %get3A_481 = arith.constant 240 : index
    %get3A_482 = tpu.vector_load %arg9[%get3A_481] {strides = array<i32>} : memref<512xi32, #tpu.memory_space<vmem>>, vector<16xi32>,
    %get3A_483 = vector.shape_cast %get3A_482 : vector<16xi32> to vector<16xi32>
    %and3A_484 = arith.constant 255 : i32
    %and3A_485 = vector.broadcast %and3A_484 : i32 to vector<16xi32>
    %and3A_486 = arith.andi %get3A_483, %and3A_485 : vector<16xi32>
    %swap3A_487 = arith.constant 1 : i32
    %swap3A_488 = arith.index_cast %swap3A_487 : i32 to index
    %swap3A_489 = arith.constant 112 : index
    %swap3A_490 = tpu.vector_load %arg11[%swap3A_488, %swap3A_489] {strides = array<i32>} : memref<4x128xi32, #tpu.memory_space<vmem>>, vector<1x16xi32>,
    %swap3A_491 = vector.shape_cast %swap3A_490 : vector<1x16xi32> to vector<16xi32>
    %swap3A_492 = vector.shape_cast %and3A_486 : vector<16xi32> to vector<1x16xi32>
    tpu.vector_store %arg11[%swap3A_488, %swap3A_489], %swap3A_492 {strides = array<i32>} : memref<4x128xi32, #tpu.memory_space<vmem>>, vector<1x16xi32>,
    %get3A_493 = arith.constant 256 : index
    %get3A_494 = tpu.vector_load %arg8[%get3A_493] {strides = array<i32>} : memref<512xi32, #tpu.memory_space<vmem>>, vector<16xi32>,
    %get3A_495 = vector.shape_cast %get3A_494 : vector<16xi32> to vector<16xi32>
    %shift_right_logical3A_496 = arith.constant 14 : i32
    %shift_right_logical3A_497 = vector.broadcast %shift_right_logical3A_496 : i32 to vector<16xi32>
    %shift_right_logical3A_498 = arith.shrui %get3A_495, %shift_right_logical3A_497 : vector<16xi32>
    %shift_left3A_499 = arith.constant 12 : i32
    %shift_left3A_500 = vector.broadcast %shift_left3A_499 : i32 to vector<16xi32>
    %shift_left3A_501 = arith.shli %shift_right_logical3A_498, %shift_left3A_500 : vector<16xi32>
    %and3A_502 = arith.constant 4095 : i32
    %and3A_503 = vector.broadcast %and3A_502 : i32 to vector<16xi32>
    %and3A_504 = arith.andi %get3A_495, %and3A_503 : vector<16xi32>
    %or3A_505 = arith.ori %shift_left3A_501, %and3A_504 : vector<16xi32>
    %swap3A_506 = arith.constant 2 : i32
    %swap3A_507 = arith.index_cast %swap3A_506 : i32 to index
    %swap3A_508 = arith.constant 0 : index
    %swap3A_509 = tpu.vector_load %arg10[%swap3A_507, %swap3A_508] {strides = array<i32>} : memref<4x128xi32, #tpu.memory_space<vmem>>, vector<1x16xi32>,
    %swap3A_510 = vector.shape_cast %swap3A_509 : vector<1x16xi32> to vector<16xi32>
    %swap3A_511 = vector.shape_cast %or3A_505 : vector<16xi32> to vector<1x16xi32>
    tpu.vector_store %arg10[%swap3A_507, %swap3A_508], %swap3A_511 {strides = array<i32>} : memref<4x128xi32, #tpu.memory_space<vmem>>, vector<1x16xi32>,
    %get3A_512 = arith.constant 256 : index
    %get3A_513 = tpu.vector_load %arg9[%get3A_512] {strides = array<i32>} : memref<512xi32, #tpu.memory_space<vmem>>, vector<16xi32>,
    %get3A_514 = vector.shape_cast %get3A_513 : vector<16xi32> to vector<16xi32>
    %and3A_515 = arith.constant 255 : i32
    %and3A_516 = vector.broadcast %and3A_515 : i32 to vector<16xi32>
    %and3A_517 = arith.andi %get3A_514, %and3A_516 : vector<16xi32>
    %swap3A_518 = arith.constant 2 : i32
    %swap3A_519 = arith.index_cast %swap3A_518 : i32 to index
    %swap3A_520 = arith.constant 0 : index
    %swap3A_521 = tpu.vector_load %arg11[%swap3A_519, %swap3A_520] {strides = array<i32>} : memref<4x128xi32, #tpu.memory_space<vmem>>, vector<1x16xi32>,
    %swap3A_522 = vector.shape_cast %swap3A_521 : vector<1x16xi32> to vector<16xi32>
    %swap3A_523 = vector.shape_cast %and3A_517 : vector<16xi32> to vector<1x16xi32>
    tpu.vector_store %arg11[%swap3A_519, %swap3A_520], %swap3A_523 {strides = array<i32>} : memref<4x128xi32, #tpu.memory_space<vmem>>, vector<1x16xi32>,
    %get3A_524 = arith.constant 272 : index
    %get3A_525 = tpu.vector_load %arg8[%get3A_524] {strides = array<i32>} : memref<512xi32, #tpu.memory_space<vmem>>, vector<16xi32>,
    %get3A_526 = vector.shape_cast %get3A_525 : vector<16xi32> to vector<16xi32>
    %shift_right_logical3A_527 = arith.constant 14 : i32
    %shift_right_logical3A_528 = vector.broadcast %shift_right_logical3A_527 : i32 to vector<16xi32>
    %shift_right_logical3A_529 = arith.shrui %get3A_526, %shift_right_logical3A_528 : vector<16xi32>
    %shift_left3A_530 = arith.constant 12 : i32
    %shift_left3A_531 = vector.broadcast %shift_left3A_530 : i32 to vector<16xi32>
    %shift_left3A_532 = arith.shli %shift_right_logical3A_529, %shift_left3A_531 : vector<16xi32>
    %and3A_533 = arith.constant 4095 : i32
    %and3A_534 = vector.broadcast %and3A_533 : i32 to vector<16xi32>
    %and3A_535 = arith.andi %get3A_526, %and3A_534 : vector<16xi32>
    %or3A_536 = arith.ori %shift_left3A_532, %and3A_535 : vector<16xi32>
    %swap3A_537 = arith.constant 2 : i32
    %swap3A_538 = arith.index_cast %swap3A_537 : i32 to index
    %swap3A_539 = arith.constant 16 : index
    %swap3A_540 = tpu.vector_load %arg10[%swap3A_538, %swap3A_539] {strides = array<i32>} : memref<4x128xi32, #tpu.memory_space<vmem>>, vector<1x16xi32>,
    %swap3A_541 = vector.shape_cast %swap3A_540 : vector<1x16xi32> to vector<16xi32>
    %swap3A_542 = vector.shape_cast %or3A_536 : vector<16xi32> to vector<1x16xi32>
    tpu.vector_store %arg10[%swap3A_538, %swap3A_539], %swap3A_542 {strides = array<i32>} : memref<4x128xi32, #tpu.memory_space<vmem>>, vector<1x16xi32>,
    %get3A_543 = arith.constant 272 : index
    %get3A_544 = tpu.vector_load %arg9[%get3A_543] {strides = array<i32>} : memref<512xi32, #tpu.memory_space<vmem>>, vector<16xi32>,
    %get3A_545 = vector.shape_cast %get3A_544 : vector<16xi32> to vector<16xi32>
    %and3A_546 = arith.constant 255 : i32
    %and3A_547 = vector.broadcast %and3A_546 : i32 to vector<16xi32>
    %and3A_548 = arith.andi %get3A_545, %and3A_547 : vector<16xi32>
    %swap3A_549 = arith.constant 2 : i32
    %swap3A_550 = arith.index_cast %swap3A_549 : i32 to index
    %swap3A_551 = arith.constant 16 : index
    %swap3A_552 = tpu.vector_load %arg11[%swap3A_550, %swap3A_551] {strides = array<i32>} : memref<4x128xi32, #tpu.memory_space<vmem>>, vector<1x16xi32>,
    %swap3A_553 = vector.shape_cast %swap3A_552 : vector<1x16xi32> to vector<16xi32>
    %swap3A_554 = vector.shape_cast %and3A_548 : vector<16xi32> to vector<1x16xi32>
    tpu.vector_store %arg11[%swap3A_550, %swap3A_551], %swap3A_554 {strides = array<i32>} : memref<4x128xi32, #tpu.memory_space<vmem>>, vector<1x16xi32>,
    %get3A_555 = arith.constant 288 : index
    %get3A_556 = tpu.vector_load %arg8[%get3A_555] {strides = array<i32>} : memref<512xi32, #tpu.memory_space<vmem>>, vector<16xi32>,
    %get3A_557 = vector.shape_cast %get3A_556 : vector<16xi32> to vector<16xi32>
    %shift_right_logical3A_558 = arith.constant 14 : i32
    %shift_right_logical3A_559 = vector.broadcast %shift_right_logical3A_558 : i32 to vector<16xi32>
    %shift_right_logical3A_560 = arith.shrui %get3A_557, %shift_right_logical3A_559 : vector<16xi32>
    %shift_left3A_561 = arith.constant 12 : i32
    %shift_left3A_562 = vector.broadcast %shift_left3A_561 : i32 to vector<16xi32>
    %shift_left3A_563 = arith.shli %shift_right_logical3A_560, %shift_left3A_562 : vector<16xi32>
    %and3A_564 = arith.constant 4095 : i32
    %and3A_565 = vector.broadcast %and3A_564 : i32 to vector<16xi32>
    %and3A_566 = arith.andi %get3A_557, %and3A_565 : vector<16xi32>
    %or3A_567 = arith.ori %shift_left3A_563, %and3A_566 : vector<16xi32>
    %swap3A_568 = arith.constant 2 : i32
    %swap3A_569 = arith.index_cast %swap3A_568 : i32 to index
    %swap3A_570 = arith.constant 32 : index
    %swap3A_571 = tpu.vector_load %arg10[%swap3A_569, %swap3A_570] {strides = array<i32>} : memref<4x128xi32, #tpu.memory_space<vmem>>, vector<1x16xi32>,
    %swap3A_572 = vector.shape_cast %swap3A_571 : vector<1x16xi32> to vector<16xi32>
    %swap3A_573 = vector.shape_cast %or3A_567 : vector<16xi32> to vector<1x16xi32>
    tpu.vector_store %arg10[%swap3A_569, %swap3A_570], %swap3A_573 {strides = array<i32>} : memref<4x128xi32, #tpu.memory_space<vmem>>, vector<1x16xi32>,
    %get3A_574 = arith.constant 288 : index
    %get3A_575 = tpu.vector_load %arg9[%get3A_574] {strides = array<i32>} : memref<512xi32, #tpu.memory_space<vmem>>, vector<16xi32>,
    %get3A_576 = vector.shape_cast %get3A_575 : vector<16xi32> to vector<16xi32>
    %and3A_577 = arith.constant 255 : i32
    %and3A_578 = vector.broadcast %and3A_577 : i32 to vector<16xi32>
    %and3A_579 = arith.andi %get3A_576, %and3A_578 : vector<16xi32>
    %swap3A_580 = arith.constant 2 : i32
    %swap3A_581 = arith.index_cast %swap3A_580 : i32 to index
    %swap3A_582 = arith.constant 32 : index
    %swap3A_583 = tpu.vector_load %arg11[%swap3A_581, %swap3A_582] {strides = array<i32>} : memref<4x128xi32, #tpu.memory_space<vmem>>, vector<1x16xi32>,
    %swap3A_584 = vector.shape_cast %swap3A_583 : vector<1x16xi32> to vector<16xi32>
    %swap3A_585 = vector.shape_cast %and3A_579 : vector<16xi32> to vector<1x16xi32>
    tpu.vector_store %arg11[%swap3A_581, %swap3A_582], %swap3A_585 {strides = array<i32>} : memref<4x128xi32, #tpu.memory_space<vmem>>, vector<1x16xi32>,
    %get3A_586 = arith.constant 304 : index
    %get3A_587 = tpu.vector_load %arg8[%get3A_586] {strides = array<i32>} : memref<512xi32, #tpu.memory_space<vmem>>, vector<16xi32>,
    %get3A_588 = vector.shape_cast %get3A_587 : vector<16xi32> to vector<16xi32>
    %shift_right_logical3A_589 = arith.constant 14 : i32
    %shift_right_logical3A_590 = vector.broadcast %shift_right_logical3A_589 : i32 to vector<16xi32>
    %shift_right_logical3A_591 = arith.shrui %get3A_588, %shift_right_logical3A_590 : vector<16xi32>
    %shift_left3A_592 = arith.constant 12 : i32
    %shift_left3A_593 = vector.broadcast %shift_left3A_592 : i32 to vector<16xi32>
    %shift_left3A_594 = arith.shli %shift_right_logical3A_591, %shift_left3A_593 : vector<16xi32>
    %and3A_595 = arith.constant 4095 : i32
    %and3A_596 = vector.broadcast %and3A_595 : i32 to vector<16xi32>
    %and3A_597 = arith.andi %get3A_588, %and3A_596 : vector<16xi32>
    %or3A_598 = arith.ori %shift_left3A_594, %and3A_597 : vector<16xi32>
    %swap3A_599 = arith.constant 2 : i32
    %swap3A_600 = arith.index_cast %swap3A_599 : i32 to index
    %swap3A_601 = arith.constant 48 : index
    %swap3A_602 = tpu.vector_load %arg10[%swap3A_600, %swap3A_601] {strides = array<i32>} : memref<4x128xi32, #tpu.memory_space<vmem>>, vector<1x16xi32>,
    %swap3A_603 = vector.shape_cast %swap3A_602 : vector<1x16xi32> to vector<16xi32>
    %swap3A_604 = vector.shape_cast %or3A_598 : vector<16xi32> to vector<1x16xi32>
    tpu.vector_store %arg10[%swap3A_600, %swap3A_601], %swap3A_604 {strides = array<i32>} : memref<4x128xi32, #tpu.memory_space<vmem>>, vector<1x16xi32>,
    %get3A_605 = arith.constant 304 : index
    %get3A_606 = tpu.vector_load %arg9[%get3A_605] {strides = array<i32>} : memref<512xi32, #tpu.memory_space<vmem>>, vector<16xi32>,
    %get3A_607 = vector.shape_cast %get3A_606 : vector<16xi32> to vector<16xi32>
    %and3A_608 = arith.constant 255 : i32
    %and3A_609 = vector.broadcast %and3A_608 : i32 to vector<16xi32>
    %and3A_610 = arith.andi %get3A_607, %and3A_609 : vector<16xi32>
    %swap3A_611 = arith.constant 2 : i32
    %swap3A_612 = arith.index_cast %swap3A_611 : i32 to index
    %swap3A_613 = arith.constant 48 : index
    %swap3A_614 = tpu.vector_load %arg11[%swap3A_612, %swap3A_613] {strides = array<i32>} : memref<4x128xi32, #tpu.memory_space<vmem>>, vector<1x16xi32>,
    %swap3A_615 = vector.shape_cast %swap3A_614 : vector<1x16xi32> to vector<16xi32>
    %swap3A_616 = vector.shape_cast %and3A_610 : vector<16xi32> to vector<1x16xi32>
    tpu.vector_store %arg11[%swap3A_612, %swap3A_613], %swap3A_616 {strides = array<i32>} : memref<4x128xi32, #tpu.memory_space<vmem>>, vector<1x16xi32>,
    %get3A_617 = arith.constant 320 : index
    %get3A_618 = tpu.vector_load %arg8[%get3A_617] {strides = array<i32>} : memref<512xi32, #tpu.memory_space<vmem>>, vector<16xi32>,
    %get3A_619 = vector.shape_cast %get3A_618 : vector<16xi32> to vector<16xi32>
    %shift_right_logical3A_620 = arith.constant 14 : i32
    %shift_right_logical3A_621 = vector.broadcast %shift_right_logical3A_620 : i32 to vector<16xi32>
    %shift_right_logical3A_622 = arith.shrui %get3A_619, %shift_right_logical3A_621 : vector<16xi32>
    %shift_left3A_623 = arith.constant 12 : i32
    %shift_left3A_624 = vector.broadcast %shift_left3A_623 : i32 to vector<16xi32>
    %shift_left3A_625 = arith.shli %shift_right_logical3A_622, %shift_left3A_624 : vector<16xi32>
    %and3A_626 = arith.constant 4095 : i32
    %and3A_627 = vector.broadcast %and3A_626 : i32 to vector<16xi32>
    %and3A_628 = arith.andi %get3A_619, %and3A_627 : vector<16xi32>
    %or3A_629 = arith.ori %shift_left3A_625, %and3A_628 : vector<16xi32>
    %swap3A_630 = arith.constant 2 : i32
    %swap3A_631 = arith.index_cast %swap3A_630 : i32 to index
    %swap3A_632 = arith.constant 64 : index
    %swap3A_633 = tpu.vector_load %arg10[%swap3A_631, %swap3A_632] {strides = array<i32>} : memref<4x128xi32, #tpu.memory_space<vmem>>, vector<1x16xi32>,
    %swap3A_634 = vector.shape_cast %swap3A_633 : vector<1x16xi32> to vector<16xi32>
    %swap3A_635 = vector.shape_cast %or3A_629 : vector<16xi32> to vector<1x16xi32>
    tpu.vector_store %arg10[%swap3A_631, %swap3A_632], %swap3A_635 {strides = array<i32>} : memref<4x128xi32, #tpu.memory_space<vmem>>, vector<1x16xi32>,
    %get3A_636 = arith.constant 320 : index
    %get3A_637 = tpu.vector_load %arg9[%get3A_636] {strides = array<i32>} : memref<512xi32, #tpu.memory_space<vmem>>, vector<16xi32>,
    %get3A_638 = vector.shape_cast %get3A_637 : vector<16xi32> to vector<16xi32>
    %and3A_639 = arith.constant 255 : i32
    %and3A_640 = vector.broadcast %and3A_639 : i32 to vector<16xi32>
    %and3A_641 = arith.andi %get3A_638, %and3A_640 : vector<16xi32>
    %swap3A_642 = arith.constant 2 : i32
    %swap3A_643 = arith.index_cast %swap3A_642 : i32 to index
    %swap3A_644 = arith.constant 64 : index
    %swap3A_645 = tpu.vector_load %arg11[%swap3A_643, %swap3A_644] {strides = array<i32>} : memref<4x128xi32, #tpu.memory_space<vmem>>, vector<1x16xi32>,
    %swap3A_646 = vector.shape_cast %swap3A_645 : vector<1x16xi32> to vector<16xi32>
    %swap3A_647 = vector.shape_cast %and3A_641 : vector<16xi32> to vector<1x16xi32>
    tpu.vector_store %arg11[%swap3A_643, %swap3A_644], %swap3A_647 {strides = array<i32>} : memref<4x128xi32, #tpu.memory_space<vmem>>, vector<1x16xi32>,
    %get3A_648 = arith.constant 336 : index
    %get3A_649 = tpu.vector_load %arg8[%get3A_648] {strides = array<i32>} : memref<512xi32, #tpu.memory_space<vmem>>, vector<16xi32>,
    %get3A_650 = vector.shape_cast %get3A_649 : vector<16xi32> to vector<16xi32>
    %shift_right_logical3A_651 = arith.constant 14 : i32
    %shift_right_logical3A_652 = vector.broadcast %shift_right_logical3A_651 : i32 to vector<16xi32>
    %shift_right_logical3A_653 = arith.shrui %get3A_650, %shift_right_logical3A_652 : vector<16xi32>
    %shift_left3A_654 = arith.constant 12 : i32
    %shift_left3A_655 = vector.broadcast %shift_left3A_654 : i32 to vector<16xi32>
    %shift_left3A_656 = arith.shli %shift_right_logical3A_653, %shift_left3A_655 : vector<16xi32>
    %and3A_657 = arith.constant 4095 : i32
    %and3A_658 = vector.broadcast %and3A_657 : i32 to vector<16xi32>
    %and3A_659 = arith.andi %get3A_650, %and3A_658 : vector<16xi32>
    %or3A_660 = arith.ori %shift_left3A_656, %and3A_659 : vector<16xi32>
    %swap3A_661 = arith.constant 2 : i32
    %swap3A_662 = arith.index_cast %swap3A_661 : i32 to index
    %swap3A_663 = arith.constant 80 : index
    %swap3A_664 = tpu.vector_load %arg10[%swap3A_662, %swap3A_663] {strides = array<i32>} : memref<4x128xi32, #tpu.memory_space<vmem>>, vector<1x16xi32>,
    %swap3A_665 = vector.shape_cast %swap3A_664 : vector<1x16xi32> to vector<16xi32>
    %swap3A_666 = vector.shape_cast %or3A_660 : vector<16xi32> to vector<1x16xi32>
    tpu.vector_store %arg10[%swap3A_662, %swap3A_663], %swap3A_666 {strides = array<i32>} : memref<4x128xi32, #tpu.memory_space<vmem>>, vector<1x16xi32>,
    %get3A_667 = arith.constant 336 : index
    %get3A_668 = tpu.vector_load %arg9[%get3A_667] {strides = array<i32>} : memref<512xi32, #tpu.memory_space<vmem>>, vector<16xi32>,
    %get3A_669 = vector.shape_cast %get3A_668 : vector<16xi32> to vector<16xi32>
    %and3A_670 = arith.constant 255 : i32
    %and3A_671 = vector.broadcast %and3A_670 : i32 to vector<16xi32>
    %and3A_672 = arith.andi %get3A_669, %and3A_671 : vector<16xi32>
    %swap3A_673 = arith.constant 2 : i32
    %swap3A_674 = arith.index_cast %swap3A_673 : i32 to index
    %swap3A_675 = arith.constant 80 : index
    %swap3A_676 = tpu.vector_load %arg11[%swap3A_674, %swap3A_675] {strides = array<i32>} : memref<4x128xi32, #tpu.memory_space<vmem>>, vector<1x16xi32>,
    %swap3A_677 = vector.shape_cast %swap3A_676 : vector<1x16xi32> to vector<16xi32>
    %swap3A_678 = vector.shape_cast %and3A_672 : vector<16xi32> to vector<1x16xi32>
    tpu.vector_store %arg11[%swap3A_674, %swap3A_675], %swap3A_678 {strides = array<i32>} : memref<4x128xi32, #tpu.memory_space<vmem>>, vector<1x16xi32>,
    %get3A_679 = arith.constant 352 : index
    %get3A_680 = tpu.vector_load %arg8[%get3A_679] {strides = array<i32>} : memref<512xi32, #tpu.memory_space<vmem>>, vector<16xi32>,
    %get3A_681 = vector.shape_cast %get3A_680 : vector<16xi32> to vector<16xi32>
    %shift_right_logical3A_682 = arith.constant 14 : i32
    %shift_right_logical3A_683 = vector.broadcast %shift_right_logical3A_682 : i32 to vector<16xi32>
    %shift_right_logical3A_684 = arith.shrui %get3A_681, %shift_right_logical3A_683 : vector<16xi32>
    %shift_left3A_685 = arith.constant 12 : i32
    %shift_left3A_686 = vector.broadcast %shift_left3A_685 : i32 to vector<16xi32>
    %shift_left3A_687 = arith.shli %shift_right_logical3A_684, %shift_left3A_686 : vector<16xi32>
    %and3A_688 = arith.constant 4095 : i32
    %and3A_689 = vector.broadcast %and3A_688 : i32 to vector<16xi32>
    %and3A_690 = arith.andi %get3A_681, %and3A_689 : vector<16xi32>
    %or3A_691 = arith.ori %shift_left3A_687, %and3A_690 : vector<16xi32>
    %swap3A_692 = arith.constant 2 : i32
    %swap3A_693 = arith.index_cast %swap3A_692 : i32 to index
    %swap3A_694 = arith.constant 96 : index
    %swap3A_695 = tpu.vector_load %arg10[%swap3A_693, %swap3A_694] {strides = array<i32>} : memref<4x128xi32, #tpu.memory_space<vmem>>, vector<1x16xi32>,
    %swap3A_696 = vector.shape_cast %swap3A_695 : vector<1x16xi32> to vector<16xi32>
    %swap3A_697 = vector.shape_cast %or3A_691 : vector<16xi32> to vector<1x16xi32>
    tpu.vector_store %arg10[%swap3A_693, %swap3A_694], %swap3A_697 {strides = array<i32>} : memref<4x128xi32, #tpu.memory_space<vmem>>, vector<1x16xi32>,
    %get3A_698 = arith.constant 352 : index
    %get3A_699 = tpu.vector_load %arg9[%get3A_698] {strides = array<i32>} : memref<512xi32, #tpu.memory_space<vmem>>, vector<16xi32>,
    %get3A_700 = vector.shape_cast %get3A_699 : vector<16xi32> to vector<16xi32>
    %and3A_701 = arith.constant 255 : i32
    %and3A_702 = vector.broadcast %and3A_701 : i32 to vector<16xi32>
    %and3A_703 = arith.andi %get3A_700, %and3A_702 : vector<16xi32>
    %swap3A_704 = arith.constant 2 : i32
    %swap3A_705 = arith.index_cast %swap3A_704 : i32 to index
    %swap3A_706 = arith.constant 96 : index
    %swap3A_707 = tpu.vector_load %arg11[%swap3A_705, %swap3A_706] {strides = array<i32>} : memref<4x128xi32, #tpu.memory_space<vmem>>, vector<1x16xi32>,
    %swap3A_708 = vector.shape_cast %swap3A_707 : vector<1x16xi32> to vector<16xi32>
    %swap3A_709 = vector.shape_cast %and3A_703 : vector<16xi32> to vector<1x16xi32>
    tpu.vector_store %arg11[%swap3A_705, %swap3A_706], %swap3A_709 {strides = array<i32>} : memref<4x128xi32, #tpu.memory_space<vmem>>, vector<1x16xi32>,
    %get3A_710 = arith.constant 368 : index
    %get3A_711 = tpu.vector_load %arg8[%get3A_710] {strides = array<i32>} : memref<512xi32, #tpu.memory_space<vmem>>, vector<16xi32>,
    %get3A_712 = vector.shape_cast %get3A_711 : vector<16xi32> to vector<16xi32>
    %shift_right_logical3A_713 = arith.constant 14 : i32
    %shift_right_logical3A_714 = vector.broadcast %shift_right_logical3A_713 : i32 to vector<16xi32>
    %shift_right_logical3A_715 = arith.shrui %get3A_712, %shift_right_logical3A_714 : vector<16xi32>
    %shift_left3A_716 = arith.constant 12 : i32
    %shift_left3A_717 = vector.broadcast %shift_left3A_716 : i32 to vector<16xi32>
    %shift_left3A_718 = arith.shli %shift_right_logical3A_715, %shift_left3A_717 : vector<16xi32>
    %and3A_719 = arith.constant 4095 : i32
    %and3A_720 = vector.broadcast %and3A_719 : i32 to vector<16xi32>
    %and3A_721 = arith.andi %get3A_712, %and3A_720 : vector<16xi32>
    %or3A_722 = arith.ori %shift_left3A_718, %and3A_721 : vector<16xi32>
    %swap3A_723 = arith.constant 2 : i32
    %swap3A_724 = arith.index_cast %swap3A_723 : i32 to index
    %swap3A_725 = arith.constant 112 : index
    %swap3A_726 = tpu.vector_load %arg10[%swap3A_724, %swap3A_725] {strides = array<i32>} : memref<4x128xi32, #tpu.memory_space<vmem>>, vector<1x16xi32>,
    %swap3A_727 = vector.shape_cast %swap3A_726 : vector<1x16xi32> to vector<16xi32>
    %swap3A_728 = vector.shape_cast %or3A_722 : vector<16xi32> to vector<1x16xi32>
    tpu.vector_store %arg10[%swap3A_724, %swap3A_725], %swap3A_728 {strides = array<i32>} : memref<4x128xi32, #tpu.memory_space<vmem>>, vector<1x16xi32>,
    %get3A_729 = arith.constant 368 : index
    %get3A_730 = tpu.vector_load %arg9[%get3A_729] {strides = array<i32>} : memref<512xi32, #tpu.memory_space<vmem>>, vector<16xi32>,
    %get3A_731 = vector.shape_cast %get3A_730 : vector<16xi32> to vector<16xi32>
    %and3A_732 = arith.constant 255 : i32
    %and3A_733 = vector.broadcast %and3A_732 : i32 to vector<16xi32>
    %and3A_734 = arith.andi %get3A_731, %and3A_733 : vector<16xi32>
    %swap3A_735 = arith.constant 2 : i32
    %swap3A_736 = arith.index_cast %swap3A_735 : i32 to index
    %swap3A_737 = arith.constant 112 : index
    %swap3A_738 = tpu.vector_load %arg11[%swap3A_736, %swap3A_737] {strides = array<i32>} : memref<4x128xi32, #tpu.memory_space<vmem>>, vector<1x16xi32>,
    %swap3A_739 = vector.shape_cast %swap3A_738 : vector<1x16xi32> to vector<16xi32>
    %swap3A_740 = vector.shape_cast %and3A_734 : vector<16xi32> to vector<1x16xi32>
    tpu.vector_store %arg11[%swap3A_736, %swap3A_737], %swap3A_740 {strides = array<i32>} : memref<4x128xi32, #tpu.memory_space<vmem>>, vector<1x16xi32>,
    %get3A_741 = arith.constant 384 : index
    %get3A_742 = tpu.vector_load %arg8[%get3A_741] {strides = array<i32>} : memref<512xi32, #tpu.memory_space<vmem>>, vector<16xi32>,
    %get3A_743 = vector.shape_cast %get3A_742 : vector<16xi32> to vector<16xi32>
    %shift_right_logical3A_744 = arith.constant 14 : i32
    %shift_right_logical3A_745 = vector.broadcast %shift_right_logical3A_744 : i32 to vector<16xi32>
    %shift_right_logical3A_746 = arith.shrui %get3A_743, %shift_right_logical3A_745 : vector<16xi32>
    %shift_left3A_747 = arith.constant 12 : i32
    %shift_left3A_748 = vector.broadcast %shift_left3A_747 : i32 to vector<16xi32>
    %shift_left3A_749 = arith.shli %shift_right_logical3A_746, %shift_left3A_748 : vector<16xi32>
    %and3A_750 = arith.constant 4095 : i32
    %and3A_751 = vector.broadcast %and3A_750 : i32 to vector<16xi32>
    %and3A_752 = arith.andi %get3A_743, %and3A_751 : vector<16xi32>
    %or3A_753 = arith.ori %shift_left3A_749, %and3A_752 : vector<16xi32>
    %swap3A_754 = arith.constant 3 : i32
    %swap3A_755 = arith.index_cast %swap3A_754 : i32 to index
    %swap3A_756 = arith.constant 0 : index
    %swap3A_757 = tpu.vector_load %arg10[%swap3A_755, %swap3A_756] {strides = array<i32>} : memref<4x128xi32, #tpu.memory_space<vmem>>, vector<1x16xi32>,
    %swap3A_758 = vector.shape_cast %swap3A_757 : vector<1x16xi32> to vector<16xi32>
    %swap3A_759 = vector.shape_cast %or3A_753 : vector<16xi32> to vector<1x16xi32>
    tpu.vector_store %arg10[%swap3A_755, %swap3A_756], %swap3A_759 {strides = array<i32>} : memref<4x128xi32, #tpu.memory_space<vmem>>, vector<1x16xi32>,
    %get3A_760 = arith.constant 384 : index
    %get3A_761 = tpu.vector_load %arg9[%get3A_760] {strides = array<i32>} : memref<512xi32, #tpu.memory_space<vmem>>, vector<16xi32>,
    %get3A_762 = vector.shape_cast %get3A_761 : vector<16xi32> to vector<16xi32>
    %and3A_763 = arith.constant 255 : i32
    %and3A_764 = vector.broadcast %and3A_763 : i32 to vector<16xi32>
    %and3A_765 = arith.andi %get3A_762, %and3A_764 : vector<16xi32>
    %swap3A_766 = arith.constant 3 : i32
    %swap3A_767 = arith.index_cast %swap3A_766 : i32 to index
    %swap3A_768 = arith.constant 0 : index
    %swap3A_769 = tpu.vector_load %arg11[%swap3A_767, %swap3A_768] {strides = array<i32>} : memref<4x128xi32, #tpu.memory_space<vmem>>, vector<1x16xi32>,
    %swap3A_770 = vector.shape_cast %swap3A_769 : vector<1x16xi32> to vector<16xi32>
    %swap3A_771 = vector.shape_cast %and3A_765 : vector<16xi32> to vector<1x16xi32>
    tpu.vector_store %arg11[%swap3A_767, %swap3A_768], %swap3A_771 {strides = array<i32>} : memref<4x128xi32, #tpu.memory_space<vmem>>, vector<1x16xi32>,
    %get3A_772 = arith.constant 400 : index
    %get3A_773 = tpu.vector_load %arg8[%get3A_772] {strides = array<i32>} : memref<512xi32, #tpu.memory_space<vmem>>, vector<16xi32>,
    %get3A_774 = vector.shape_cast %get3A_773 : vector<16xi32> to vector<16xi32>
    %shift_right_logical3A_775 = arith.constant 14 : i32
    %shift_right_logical3A_776 = vector.broadcast %shift_right_logical3A_775 : i32 to vector<16xi32>
    %shift_right_logical3A_777 = arith.shrui %get3A_774, %shift_right_logical3A_776 : vector<16xi32>
    %shift_left3A_778 = arith.constant 12 : i32
    %shift_left3A_779 = vector.broadcast %shift_left3A_778 : i32 to vector<16xi32>
    %shift_left3A_780 = arith.shli %shift_right_logical3A_777, %shift_left3A_779 : vector<16xi32>
    %and3A_781 = arith.constant 4095 : i32
    %and3A_782 = vector.broadcast %and3A_781 : i32 to vector<16xi32>
    %and3A_783 = arith.andi %get3A_774, %and3A_782 : vector<16xi32>
    %or3A_784 = arith.ori %shift_left3A_780, %and3A_783 : vector<16xi32>
    %swap3A_785 = arith.constant 3 : i32
    %swap3A_786 = arith.index_cast %swap3A_785 : i32 to index
    %swap3A_787 = arith.constant 16 : index
    %swap3A_788 = tpu.vector_load %arg10[%swap3A_786, %swap3A_787] {strides = array<i32>} : memref<4x128xi32, #tpu.memory_space<vmem>>, vector<1x16xi32>,
    %swap3A_789 = vector.shape_cast %swap3A_788 : vector<1x16xi32> to vector<16xi32>
    %swap3A_790 = vector.shape_cast %or3A_784 : vector<16xi32> to vector<1x16xi32>
    tpu.vector_store %arg10[%swap3A_786, %swap3A_787], %swap3A_790 {strides = array<i32>} : memref<4x128xi32, #tpu.memory_space<vmem>>, vector<1x16xi32>,
    %get3A_791 = arith.constant 400 : index
    %get3A_792 = tpu.vector_load %arg9[%get3A_791] {strides = array<i32>} : memref<512xi32, #tpu.memory_space<vmem>>, vector<16xi32>,
    %get3A_793 = vector.shape_cast %get3A_792 : vector<16xi32> to vector<16xi32>
    %and3A_794 = arith.constant 255 : i32
    %and3A_795 = vector.broadcast %and3A_794 : i32 to vector<16xi32>
    %and3A_796 = arith.andi %get3A_793, %and3A_795 : vector<16xi32>
    %swap3A_797 = arith.constant 3 : i32
    %swap3A_798 = arith.index_cast %swap3A_797 : i32 to index
    %swap3A_799 = arith.constant 16 : index
    %swap3A_800 = tpu.vector_load %arg11[%swap3A_798, %swap3A_799] {strides = array<i32>} : memref<4x128xi32, #tpu.memory_space<vmem>>, vector<1x16xi32>,
    %swap3A_801 = vector.shape_cast %swap3A_800 : vector<1x16xi32> to vector<16xi32>
    %swap3A_802 = vector.shape_cast %and3A_796 : vector<16xi32> to vector<1x16xi32>
    tpu.vector_store %arg11[%swap3A_798, %swap3A_799], %swap3A_802 {strides = array<i32>} : memref<4x128xi32, #tpu.memory_space<vmem>>, vector<1x16xi32>,
    %get3A_803 = arith.constant 416 : index
    %get3A_804 = tpu.vector_load %arg8[%get3A_803] {strides = array<i32>} : memref<512xi32, #tpu.memory_space<vmem>>, vector<16xi32>,
    %get3A_805 = vector.shape_cast %get3A_804 : vector<16xi32> to vector<16xi32>
    %shift_right_logical3A_806 = arith.constant 14 : i32
    %shift_right_logical3A_807 = vector.broadcast %shift_right_logical3A_806 : i32 to vector<16xi32>
    %shift_right_logical3A_808 = arith.shrui %get3A_805, %shift_right_logical3A_807 : vector<16xi32>
    %shift_left3A_809 = arith.constant 12 : i32
    %shift_left3A_810 = vector.broadcast %shift_left3A_809 : i32 to vector<16xi32>
    %shift_left3A_811 = arith.shli %shift_right_logical3A_808, %shift_left3A_810 : vector<16xi32>
    %and3A_812 = arith.constant 4095 : i32
    %and3A_813 = vector.broadcast %and3A_812 : i32 to vector<16xi32>
    %and3A_814 = arith.andi %get3A_805, %and3A_813 : vector<16xi32>
    %or3A_815 = arith.ori %shift_left3A_811, %and3A_814 : vector<16xi32>
    %swap3A_816 = arith.constant 3 : i32
    %swap3A_817 = arith.index_cast %swap3A_816 : i32 to index
    %swap3A_818 = arith.constant 32 : index
    %swap3A_819 = tpu.vector_load %arg10[%swap3A_817, %swap3A_818] {strides = array<i32>} : memref<4x128xi32, #tpu.memory_space<vmem>>, vector<1x16xi32>,
    %swap3A_820 = vector.shape_cast %swap3A_819 : vector<1x16xi32> to vector<16xi32>
    %swap3A_821 = vector.shape_cast %or3A_815 : vector<16xi32> to vector<1x16xi32>
    tpu.vector_store %arg10[%swap3A_817, %swap3A_818], %swap3A_821 {strides = array<i32>} : memref<4x128xi32, #tpu.memory_space<vmem>>, vector<1x16xi32>,
    %get3A_822 = arith.constant 416 : index
    %get3A_823 = tpu.vector_load %arg9[%get3A_822] {strides = array<i32>} : memref<512xi32, #tpu.memory_space<vmem>>, vector<16xi32>,
    %get3A_824 = vector.shape_cast %get3A_823 : vector<16xi32> to vector<16xi32>
    %and3A_825 = arith.constant 255 : i32
    %and3A_826 = vector.broadcast %and3A_825 : i32 to vector<16xi32>
    %and3A_827 = arith.andi %get3A_824, %and3A_826 : vector<16xi32>
    %swap3A_828 = arith.constant 3 : i32
    %swap3A_829 = arith.index_cast %swap3A_828 : i32 to index
    %swap3A_830 = arith.constant 32 : index
    %swap3A_831 = tpu.vector_load %arg11[%swap3A_829, %swap3A_830] {strides = array<i32>} : memref<4x128xi32, #tpu.memory_space<vmem>>, vector<1x16xi32>,
    %swap3A_832 = vector.shape_cast %swap3A_831 : vector<1x16xi32> to vector<16xi32>
    %swap3A_833 = vector.shape_cast %and3A_827 : vector<16xi32> to vector<1x16xi32>
    tpu.vector_store %arg11[%swap3A_829, %swap3A_830], %swap3A_833 {strides = array<i32>} : memref<4x128xi32, #tpu.memory_space<vmem>>, vector<1x16xi32>,
    %get3A_834 = arith.constant 432 : index
    %get3A_835 = tpu.vector_load %arg8[%get3A_834] {strides = array<i32>} : memref<512xi32, #tpu.memory_space<vmem>>, vector<16xi32>,
    %get3A_836 = vector.shape_cast %get3A_835 : vector<16xi32> to vector<16xi32>
    %shift_right_logical3A_837 = arith.constant 14 : i32
    %shift_right_logical3A_838 = vector.broadcast %shift_right_logical3A_837 : i32 to vector<16xi32>
    %shift_right_logical3A_839 = arith.shrui %get3A_836, %shift_right_logical3A_838 : vector<16xi32>
    %shift_left3A_840 = arith.constant 12 : i32
    %shift_left3A_841 = vector.broadcast %shift_left3A_840 : i32 to vector<16xi32>
    %shift_left3A_842 = arith.shli %shift_right_logical3A_839, %shift_left3A_841 : vector<16xi32>
    %and3A_843 = arith.constant 4095 : i32
    %and3A_844 = vector.broadcast %and3A_843 : i32 to vector<16xi32>
    %and3A_845 = arith.andi %get3A_836, %and3A_844 : vector<16xi32>
    %or3A_846 = arith.ori %shift_left3A_842, %and3A_845 : vector<16xi32>
    %swap3A_847 = arith.constant 3 : i32
    %swap3A_848 = arith.index_cast %swap3A_847 : i32 to index
    %swap3A_849 = arith.constant 48 : index
    %swap3A_850 = tpu.vector_load %arg10[%swap3A_848, %swap3A_849] {strides = array<i32>} : memref<4x128xi32, #tpu.memory_space<vmem>>, vector<1x16xi32>,
    %swap3A_851 = vector.shape_cast %swap3A_850 : vector<1x16xi32> to vector<16xi32>
    %swap3A_852 = vector.shape_cast %or3A_846 : vector<16xi32> to vector<1x16xi32>
    tpu.vector_store %arg10[%swap3A_848, %swap3A_849], %swap3A_852 {strides = array<i32>} : memref<4x128xi32, #tpu.memory_space<vmem>>, vector<1x16xi32>,
    %get3A_853 = arith.constant 432 : index
    %get3A_854 = tpu.vector_load %arg9[%get3A_853] {strides = array<i32>} : memref<512xi32, #tpu.memory_space<vmem>>, vector<16xi32>,
    %get3A_855 = vector.shape_cast %get3A_854 : vector<16xi32> to vector<16xi32>
    %and3A_856 = arith.constant 255 : i32
    %and3A_857 = vector.broadcast %and3A_856 : i32 to vector<16xi32>
    %and3A_858 = arith.andi %get3A_855, %and3A_857 : vector<16xi32>
    %swap3A_859 = arith.constant 3 : i32
    %swap3A_860 = arith.index_cast %swap3A_859 : i32 to index
    %swap3A_861 = arith.constant 48 : index
    %swap3A_862 = tpu.vector_load %arg11[%swap3A_860, %swap3A_861] {strides = array<i32>} : memref<4x128xi32, #tpu.memory_space<vmem>>, vector<1x16xi32>,
    %swap3A_863 = vector.shape_cast %swap3A_862 : vector<1x16xi32> to vector<16xi32>
    %swap3A_864 = vector.shape_cast %and3A_858 : vector<16xi32> to vector<1x16xi32>
    tpu.vector_store %arg11[%swap3A_860, %swap3A_861], %swap3A_864 {strides = array<i32>} : memref<4x128xi32, #tpu.memory_space<vmem>>, vector<1x16xi32>,
    %get3A_865 = arith.constant 448 : index
    %get3A_866 = tpu.vector_load %arg8[%get3A_865] {strides = array<i32>} : memref<512xi32, #tpu.memory_space<vmem>>, vector<16xi32>,
    %get3A_867 = vector.shape_cast %get3A_866 : vector<16xi32> to vector<16xi32>
    %shift_right_logical3A_868 = arith.constant 14 : i32
    %shift_right_logical3A_869 = vector.broadcast %shift_right_logical3A_868 : i32 to vector<16xi32>
    %shift_right_logical3A_870 = arith.shrui %get3A_867, %shift_right_logical3A_869 : vector<16xi32>
    %shift_left3A_871 = arith.constant 12 : i32
    %shift_left3A_872 = vector.broadcast %shift_left3A_871 : i32 to vector<16xi32>
    %shift_left3A_873 = arith.shli %shift_right_logical3A_870, %shift_left3A_872 : vector<16xi32>
    %and3A_874 = arith.constant 4095 : i32
    %and3A_875 = vector.broadcast %and3A_874 : i32 to vector<16xi32>
    %and3A_876 = arith.andi %get3A_867, %and3A_875 : vector<16xi32>
    %or3A_877 = arith.ori %shift_left3A_873, %and3A_876 : vector<16xi32>
    %swap3A_878 = arith.constant 3 : i32
    %swap3A_879 = arith.index_cast %swap3A_878 : i32 to index
    %swap3A_880 = arith.constant 64 : index
    %swap3A_881 = tpu.vector_load %arg10[%swap3A_879, %swap3A_880] {strides = array<i32>} : memref<4x128xi32, #tpu.memory_space<vmem>>, vector<1x16xi32>,
    %swap3A_882 = vector.shape_cast %swap3A_881 : vector<1x16xi32> to vector<16xi32>
    %swap3A_883 = vector.shape_cast %or3A_877 : vector<16xi32> to vector<1x16xi32>
    tpu.vector_store %arg10[%swap3A_879, %swap3A_880], %swap3A_883 {strides = array<i32>} : memref<4x128xi32, #tpu.memory_space<vmem>>, vector<1x16xi32>,
    %get3A_884 = arith.constant 448 : index
    %get3A_885 = tpu.vector_load %arg9[%get3A_884] {strides = array<i32>} : memref<512xi32, #tpu.memory_space<vmem>>, vector<16xi32>,
    %get3A_886 = vector.shape_cast %get3A_885 : vector<16xi32> to vector<16xi32>
    %and3A_887 = arith.constant 255 : i32
    %and3A_888 = vector.broadcast %and3A_887 : i32 to vector<16xi32>
    %and3A_889 = arith.andi %get3A_886, %and3A_888 : vector<16xi32>
    %swap3A_890 = arith.constant 3 : i32
    %swap3A_891 = arith.index_cast %swap3A_890 : i32 to index
    %swap3A_892 = arith.constant 64 : index
    %swap3A_893 = tpu.vector_load %arg11[%swap3A_891, %swap3A_892] {strides = array<i32>} : memref<4x128xi32, #tpu.memory_space<vmem>>, vector<1x16xi32>,
    %swap3A_894 = vector.shape_cast %swap3A_893 : vector<1x16xi32> to vector<16xi32>
    %swap3A_895 = vector.shape_cast %and3A_889 : vector<16xi32> to vector<1x16xi32>
    tpu.vector_store %arg11[%swap3A_891, %swap3A_892], %swap3A_895 {strides = array<i32>} : memref<4x128xi32, #tpu.memory_space<vmem>>, vector<1x16xi32>,
    %get3A_896 = arith.constant 464 : index
    %get3A_897 = tpu.vector_load %arg8[%get3A_896] {strides = array<i32>} : memref<512xi32, #tpu.memory_space<vmem>>, vector<16xi32>,
    %get3A_898 = vector.shape_cast %get3A_897 : vector<16xi32> to vector<16xi32>
    %shift_right_logical3A_899 = arith.constant 14 : i32
    %shift_right_logical3A_900 = vector.broadcast %shift_right_logical3A_899 : i32 to vector<16xi32>
    %shift_right_logical3A_901 = arith.shrui %get3A_898, %shift_right_logical3A_900 : vector<16xi32>
    %shift_left3A_902 = arith.constant 12 : i32
    %shift_left3A_903 = vector.broadcast %shift_left3A_902 : i32 to vector<16xi32>
    %shift_left3A_904 = arith.shli %shift_right_logical3A_901, %shift_left3A_903 : vector<16xi32>
    %and3A_905 = arith.constant 4095 : i32
    %and3A_906 = vector.broadcast %and3A_905 : i32 to vector<16xi32>
    %and3A_907 = arith.andi %get3A_898, %and3A_906 : vector<16xi32>
    %or3A_908 = arith.ori %shift_left3A_904, %and3A_907 : vector<16xi32>
    %swap3A_909 = arith.constant 3 : i32
    %swap3A_910 = arith.index_cast %swap3A_909 : i32 to index
    %swap3A_911 = arith.constant 80 : index
    %swap3A_912 = tpu.vector_load %arg10[%swap3A_910, %swap3A_911] {strides = array<i32>} : memref<4x128xi32, #tpu.memory_space<vmem>>, vector<1x16xi32>,
    %swap3A_913 = vector.shape_cast %swap3A_912 : vector<1x16xi32> to vector<16xi32>
    %swap3A_914 = vector.shape_cast %or3A_908 : vector<16xi32> to vector<1x16xi32>
    tpu.vector_store %arg10[%swap3A_910, %swap3A_911], %swap3A_914 {strides = array<i32>} : memref<4x128xi32, #tpu.memory_space<vmem>>, vector<1x16xi32>,
    %get3A_915 = arith.constant 464 : index
    %get3A_916 = tpu.vector_load %arg9[%get3A_915] {strides = array<i32>} : memref<512xi32, #tpu.memory_space<vmem>>, vector<16xi32>,
    %get3A_917 = vector.shape_cast %get3A_916 : vector<16xi32> to vector<16xi32>
    %and3A_918 = arith.constant 255 : i32
    %and3A_919 = vector.broadcast %and3A_918 : i32 to vector<16xi32>
    %and3A_920 = arith.andi %get3A_917, %and3A_919 : vector<16xi32>
    %swap3A_921 = arith.constant 3 : i32
    %swap3A_922 = arith.index_cast %swap3A_921 : i32 to index
    %swap3A_923 = arith.constant 80 : index
    %swap3A_924 = tpu.vector_load %arg11[%swap3A_922, %swap3A_923] {strides = array<i32>} : memref<4x128xi32, #tpu.memory_space<vmem>>, vector<1x16xi32>,
    %swap3A_925 = vector.shape_cast %swap3A_924 : vector<1x16xi32> to vector<16xi32>
    %swap3A_926 = vector.shape_cast %and3A_920 : vector<16xi32> to vector<1x16xi32>
    tpu.vector_store %arg11[%swap3A_922, %swap3A_923], %swap3A_926 {strides = array<i32>} : memref<4x128xi32, #tpu.memory_space<vmem>>, vector<1x16xi32>,
    %get3A_927 = arith.constant 480 : index
    %get3A_928 = tpu.vector_load %arg8[%get3A_927] {strides = array<i32>} : memref<512xi32, #tpu.memory_space<vmem>>, vector<16xi32>,
    %get3A_929 = vector.shape_cast %get3A_928 : vector<16xi32> to vector<16xi32>
    %shift_right_logical3A_930 = arith.constant 14 : i32
    %shift_right_logical3A_931 = vector.broadcast %shift_right_logical3A_930 : i32 to vector<16xi32>
    %shift_right_logical3A_932 = arith.shrui %get3A_929, %shift_right_logical3A_931 : vector<16xi32>
    %shift_left3A_933 = arith.constant 12 : i32
    %shift_left3A_934 = vector.broadcast %shift_left3A_933 : i32 to vector<16xi32>
    %shift_left3A_935 = arith.shli %shift_right_logical3A_932, %shift_left3A_934 : vector<16xi32>
    %and3A_936 = arith.constant 4095 : i32
    %and3A_937 = vector.broadcast %and3A_936 : i32 to vector<16xi32>
    %and3A_938 = arith.andi %get3A_929, %and3A_937 : vector<16xi32>
    %or3A_939 = arith.ori %shift_left3A_935, %and3A_938 : vector<16xi32>
    %swap3A_940 = arith.constant 3 : i32
    %swap3A_941 = arith.index_cast %swap3A_940 : i32 to index
    %swap3A_942 = arith.constant 96 : index
    %swap3A_943 = tpu.vector_load %arg10[%swap3A_941, %swap3A_942] {strides = array<i32>} : memref<4x128xi32, #tpu.memory_space<vmem>>, vector<1x16xi32>,
    %swap3A_944 = vector.shape_cast %swap3A_943 : vector<1x16xi32> to vector<16xi32>
    %swap3A_945 = vector.shape_cast %or3A_939 : vector<16xi32> to vector<1x16xi32>
    tpu.vector_store %arg10[%swap3A_941, %swap3A_942], %swap3A_945 {strides = array<i32>} : memref<4x128xi32, #tpu.memory_space<vmem>>, vector<1x16xi32>,
    %get3A_946 = arith.constant 480 : index
    %get3A_947 = tpu.vector_load %arg9[%get3A_946] {strides = array<i32>} : memref<512xi32, #tpu.memory_space<vmem>>, vector<16xi32>,
    %get3A_948 = vector.shape_cast %get3A_947 : vector<16xi32> to vector<16xi32>
    %and3A_949 = arith.constant 255 : i32
    %and3A_950 = vector.broadcast %and3A_949 : i32 to vector<16xi32>
    %and3A_951 = arith.andi %get3A_948, %and3A_950 : vector<16xi32>
    %swap3A_952 = arith.constant 3 : i32
    %swap3A_953 = arith.index_cast %swap3A_952 : i32 to index
    %swap3A_954 = arith.constant 96 : index
    %swap3A_955 = tpu.vector_load %arg11[%swap3A_953, %swap3A_954] {strides = array<i32>} : memref<4x128xi32, #tpu.memory_space<vmem>>, vector<1x16xi32>,
    %swap3A_956 = vector.shape_cast %swap3A_955 : vector<1x16xi32> to vector<16xi32>
    %swap3A_957 = vector.shape_cast %and3A_951 : vector<16xi32> to vector<1x16xi32>
    tpu.vector_store %arg11[%swap3A_953, %swap3A_954], %swap3A_957 {strides = array<i32>} : memref<4x128xi32, #tpu.memory_space<vmem>>, vector<1x16xi32>,
    %get3A_958 = arith.constant 496 : index
    %get3A_959 = tpu.vector_load %arg8[%get3A_958] {strides = array<i32>} : memref<512xi32, #tpu.memory_space<vmem>>, vector<16xi32>,
    %get3A_960 = vector.shape_cast %get3A_959 : vector<16xi32> to vector<16xi32>
    %shift_right_logical3A_961 = arith.constant 14 : i32
    %shift_right_logical3A_962 = vector.broadcast %shift_right_logical3A_961 : i32 to vector<16xi32>
    %shift_right_logical3A_963 = arith.shrui %get3A_960, %shift_right_logical3A_962 : vector<16xi32>
    %shift_left3A_964 = arith.constant 12 : i32
    %shift_left3A_965 = vector.broadcast %shift_left3A_964 : i32 to vector<16xi32>
    %shift_left3A_966 = arith.shli %shift_right_logical3A_963, %shift_left3A_965 : vector<16xi32>
    %and3A_967 = arith.constant 4095 : i32
    %and3A_968 = vector.broadcast %and3A_967 : i32 to vector<16xi32>
    %and3A_969 = arith.andi %get3A_960, %and3A_968 : vector<16xi32>
    %or3A_970 = arith.ori %shift_left3A_966, %and3A_969 : vector<16xi32>
    %swap3A_971 = arith.constant 3 : i32
    %swap3A_972 = arith.index_cast %swap3A_971 : i32 to index
    %swap3A_973 = arith.constant 112 : index
    %swap3A_974 = tpu.vector_load %arg10[%swap3A_972, %swap3A_973] {strides = array<i32>} : memref<4x128xi32, #tpu.memory_space<vmem>>, vector<1x16xi32>,
    %swap3A_975 = vector.shape_cast %swap3A_974 : vector<1x16xi32> to vector<16xi32>
    %swap3A_976 = vector.shape_cast %or3A_970 : vector<16xi32> to vector<1x16xi32>
    tpu.vector_store %arg10[%swap3A_972, %swap3A_973], %swap3A_976 {strides = array<i32>} : memref<4x128xi32, #tpu.memory_space<vmem>>, vector<1x16xi32>,
    %get3A_977 = arith.constant 496 : index
    %get3A_978 = tpu.vector_load %arg9[%get3A_977] {strides = array<i32>} : memref<512xi32, #tpu.memory_space<vmem>>, vector<16xi32>,
    %get3A_979 = vector.shape_cast %get3A_978 : vector<16xi32> to vector<16xi32>
    %and3A_980 = arith.constant 255 : i32
    %and3A_981 = vector.broadcast %and3A_980 : i32 to vector<16xi32>
    %and3A_982 = arith.andi %get3A_979, %and3A_981 : vector<16xi32>
    %swap3A_983 = arith.constant 3 : i32
    %swap3A_984 = arith.index_cast %swap3A_983 : i32 to index
    %swap3A_985 = arith.constant 112 : index
    %swap3A_986 = tpu.vector_load %arg11[%swap3A_984, %swap3A_985] {strides = array<i32>} : memref<4x128xi32, #tpu.memory_space<vmem>>, vector<1x16xi32>,
    %swap3A_987 = vector.shape_cast %swap3A_986 : vector<1x16xi32> to vector<16xi32>
    %swap3A_988 = vector.shape_cast %and3A_982 : vector<16xi32> to vector<1x16xi32>
    tpu.vector_store %arg11[%swap3A_984, %swap3A_985], %swap3A_988 {strides = array<i32>} : memref<4x128xi32, #tpu.memory_space<vmem>>, vector<1x16xi32>,
    %dma_start3A = arith.constant 0 : i32
    %dma_start3A_989 = arith.constant 0 : i32
    %dma_start3A_990 = arith.constant 0 : i32
    %dma_start3A_991 = tpu.memref_slice %arg12[%dma_start3A_989, %dma_start3A_990] : memref<256x128xi32, #tpu.memory_space<vmem>> -> memref<128x128xi32, #tpu.memory_space<vmem>>
    %dma_start3A_992 = arith.constant 0 : i32
    %dma_start3A_993 = tpu.memref_slice %arg10[%dma_start3A, %dma_start3A_992] : memref<4x128xi32, #tpu.memory_space<vmem>> -> memref<1x128xi32, #tpu.memory_space<vmem>>
    %dma_start3A_994 = tpu.memref_squeeze %dma_start3A_993 : memref<1x128xi32, #tpu.memory_space<vmem>> -> memref<128xi32, #tpu.memory_space<vmem>>
    %dma_start3A_995 = arith.constant 0 : i32
    %dma_start3A_996 = arith.constant 0 : i32
    %dma_start3A_997 = tpu.memref_slice %arg4[%dma_start3A_995, %dma_start3A_996] : memref<253952x128xi32, #tpu.memory_space<hbm>> -> memref<253952x128xi32, #tpu.memory_space<hbm>>
    tpu.enqueue_indirect_dma source(%dma_start3A_997 : memref<253952x128xi32, #tpu.memory_space<hbm>>) target(%dma_start3A_991 : memref<128x128xi32, #tpu.memory_space<vmem>>) offsets(%dma_start3A_994 : memref<128xi32, #tpu.memory_space<vmem>>) semaphore(%arg14 : memref<!tpu.dma_semaphore, #tpu.memory_space<semaphore_mem>>)
    %dma_start3A_998 = arith.constant 0 : i32
    %dma_start3A_999 = arith.constant 0 : i32
    %dma_start3A_1000 = arith.constant 0 : i32
    %dma_start3A_1001 = tpu.memref_slice %arg13[%dma_start3A_999, %dma_start3A_1000] : memref<256x128xf32, #tpu.memory_space<vmem>> -> memref<128x128xf32, #tpu.memory_space<vmem>>
    %dma_start3A_1002 = arith.constant 0 : i32
    %dma_start3A_1003 = tpu.memref_slice %arg11[%dma_start3A_998, %dma_start3A_1002] : memref<4x128xi32, #tpu.memory_space<vmem>> -> memref<1x128xi32, #tpu.memory_space<vmem>>
    %dma_start3A_1004 = tpu.memref_squeeze %dma_start3A_1003 : memref<1x128xi32, #tpu.memory_space<vmem>> -> memref<128xi32, #tpu.memory_space<vmem>>
    %dma_start3A_1005 = arith.constant 0 : i32
    %dma_start3A_1006 = arith.constant 0 : i32
    %dma_start3A_1007 = tpu.memref_slice %arg5[%dma_start3A_1005, %dma_start3A_1006] : memref<256x128xf32, #tpu.memory_space<hbm>> -> memref<256x128xf32, #tpu.memory_space<hbm>>
    tpu.enqueue_indirect_dma source(%dma_start3A_1007 : memref<256x128xf32, #tpu.memory_space<hbm>>) target(%dma_start3A_1001 : memref<128x128xf32, #tpu.memory_space<vmem>>) offsets(%dma_start3A_1004 : memref<128xi32, #tpu.memory_space<vmem>>) semaphore(%arg14 : memref<!tpu.dma_semaphore, #tpu.memory_space<semaphore_mem>>)
    %dma_start3A_1008 = arith.constant 1 : i32
    %dma_start3A_1009 = arith.constant 128 : i32
    %dma_start3A_1010 = arith.constant 0 : i32
    %dma_start3A_1011 = tpu.memref_slice %arg12[%dma_start3A_1009, %dma_start3A_1010] : memref<256x128xi32, #tpu.memory_space<vmem>> -> memref<128x128xi32, #tpu.memory_space<vmem>>
    %dma_start3A_1012 = arith.constant 0 : i32
    %dma_start3A_1013 = tpu.memref_slice %arg10[%dma_start3A_1008, %dma_start3A_1012] : memref<4x128xi32, #tpu.memory_space<vmem>> -> memref<1x128xi32, #tpu.memory_space<vmem>>
    %dma_start3A_1014 = tpu.memref_squeeze %dma_start3A_1013 : memref<1x128xi32, #tpu.memory_space<vmem>> -> memref<128xi32, #tpu.memory_space<vmem>>
    %dma_start3A_1015 = arith.constant 0 : i32
    %dma_start3A_1016 = arith.constant 0 : i32
    %dma_start3A_1017 = tpu.memref_slice %arg4[%dma_start3A_1015, %dma_start3A_1016] : memref<253952x128xi32, #tpu.memory_space<hbm>> -> memref<253952x128xi32, #tpu.memory_space<hbm>>
    tpu.enqueue_indirect_dma source(%dma_start3A_1017 : memref<253952x128xi32, #tpu.memory_space<hbm>>) target(%dma_start3A_1011 : memref<128x128xi32, #tpu.memory_space<vmem>>) offsets(%dma_start3A_1014 : memref<128xi32, #tpu.memory_space<vmem>>) semaphore(%arg14 : memref<!tpu.dma_semaphore, #tpu.memory_space<semaphore_mem>>)
    %dma_start3A_1018 = arith.constant 1 : i32
    %dma_start3A_1019 = arith.constant 128 : i32
    %dma_start3A_1020 = arith.constant 0 : i32
    %dma_start3A_1021 = tpu.memref_slice %arg13[%dma_start3A_1019, %dma_start3A_1020] : memref<256x128xf32, #tpu.memory_space<vmem>> -> memref<128x128xf32, #tpu.memory_space<vmem>>
    %dma_start3A_1022 = arith.constant 0 : i32
    %dma_start3A_1023 = tpu.memref_slice %arg11[%dma_start3A_1018, %dma_start3A_1022] : memref<4x128xi32, #tpu.memory_space<vmem>> -> memref<1x128xi32, #tpu.memory_space<vmem>>
    %dma_start3A_1024 = tpu.memref_squeeze %dma_start3A_1023 : memref<1x128xi32, #tpu.memory_space<vmem>> -> memref<128xi32, #tpu.memory_space<vmem>>
    %dma_start3A_1025 = arith.constant 0 : i32
    %dma_start3A_1026 = arith.constant 0 : i32
    %dma_start3A_1027 = tpu.memref_slice %arg5[%dma_start3A_1025, %dma_start3A_1026] : memref<256x128xf32, #tpu.memory_space<hbm>> -> memref<256x128xf32, #tpu.memory_space<hbm>>
    tpu.enqueue_indirect_dma source(%dma_start3A_1027 : memref<256x128xf32, #tpu.memory_space<hbm>>) target(%dma_start3A_1021 : memref<128x128xf32, #tpu.memory_space<vmem>>) offsets(%dma_start3A_1024 : memref<128xi32, #tpu.memory_space<vmem>>) semaphore(%arg14 : memref<!tpu.dma_semaphore, #tpu.memory_space<semaphore_mem>>)
    %dma_wait3A = arith.constant 0 : i32
    %dma_wait3A_1028 = arith.constant 0 : i32
    %dma_wait3A_1029 = arith.constant 0 : i32
    %dma_wait3A_1030 = tpu.memref_slice %arg12[%dma_wait3A_1028, %dma_wait3A_1029] : memref<256x128xi32, #tpu.memory_space<vmem>> -> memref<128x128xi32, #tpu.memory_space<vmem>>
    %dma_wait3A_1031 = arith.constant 0 : i32
    %dma_wait3A_1032 = tpu.memref_slice %arg10[%dma_wait3A, %dma_wait3A_1031] : memref<4x128xi32, #tpu.memory_space<vmem>> -> memref<1x128xi32, #tpu.memory_space<vmem>>
    %dma_wait3A_1033 = tpu.memref_squeeze %dma_wait3A_1032 : memref<1x128xi32, #tpu.memory_space<vmem>> -> memref<128xi32, #tpu.memory_space<vmem>>
    %dma_wait3A_1034 = arith.constant 0 : i32
    %dma_wait3A_1035 = arith.constant 0 : i32
    %dma_wait3A_1036 = tpu.memref_slice %arg4[%dma_wait3A_1034, %dma_wait3A_1035] : memref<253952x128xi32, #tpu.memory_space<hbm>> -> memref<253952x128xi32, #tpu.memory_space<hbm>>
    tpu.wait_indirect_dma semaphore(%arg14 : memref<!tpu.dma_semaphore, #tpu.memory_space<semaphore_mem>>) src(%dma_wait3A_1036 : memref<253952x128xi32, #tpu.memory_space<hbm>>) dst(%dma_wait3A_1030 : memref<128x128xi32, #tpu.memory_space<vmem>>)
    %dma_wait3A_1037 = arith.constant 0 : i32
    %dma_wait3A_1038 = arith.constant 0 : i32
    %dma_wait3A_1039 = arith.constant 0 : i32
    %dma_wait3A_1040 = tpu.memref_slice %arg13[%dma_wait3A_1038, %dma_wait3A_1039] : memref<256x128xf32, #tpu.memory_space<vmem>> -> memref<128x128xf32, #tpu.memory_space<vmem>>
    %dma_wait3A_1041 = arith.constant 0 : i32
    %dma_wait3A_1042 = tpu.memref_slice %arg11[%dma_wait3A_1037, %dma_wait3A_1041] : memref<4x128xi32, #tpu.memory_space<vmem>> -> memref<1x128xi32, #tpu.memory_space<vmem>>
    %dma_wait3A_1043 = tpu.memref_squeeze %dma_wait3A_1042 : memref<1x128xi32, #tpu.memory_space<vmem>> -> memref<128xi32, #tpu.memory_space<vmem>>
    %dma_wait3A_1044 = arith.constant 0 : i32
    %dma_wait3A_1045 = arith.constant 0 : i32
    %dma_wait3A_1046 = tpu.memref_slice %arg5[%dma_wait3A_1044, %dma_wait3A_1045] : memref<256x128xf32, #tpu.memory_space<hbm>> -> memref<256x128xf32, #tpu.memory_space<hbm>>
    tpu.wait_indirect_dma semaphore(%arg14 : memref<!tpu.dma_semaphore, #tpu.memory_space<semaphore_mem>>) src(%dma_wait3A_1046 : memref<256x128xf32, #tpu.memory_space<hbm>>) dst(%dma_wait3A_1040 : memref<128x128xf32, #tpu.memory_space<vmem>>)
    %dma_wait3A_1047 = arith.constant 1 : i32
    %dma_wait3A_1048 = arith.constant 128 : i32
    %dma_wait3A_1049 = arith.constant 0 : i32
    %dma_wait3A_1050 = tpu.memref_slice %arg12[%dma_wait3A_1048, %dma_wait3A_1049] : memref<256x128xi32, #tpu.memory_space<vmem>> -> memref<128x128xi32, #tpu.memory_space<vmem>>
    %dma_wait3A_1051 = arith.constant 0 : i32
    %dma_wait3A_1052 = tpu.memref_slice %arg10[%dma_wait3A_1047, %dma_wait3A_1051] : memref<4x128xi32, #tpu.memory_space<vmem>> -> memref<1x128xi32, #tpu.memory_space<vmem>>
    %dma_wait3A_1053 = tpu.memref_squeeze %dma_wait3A_1052 : memref<1x128xi32, #tpu.memory_space<vmem>> -> memref<128xi32, #tpu.memory_space<vmem>>
    %dma_wait3A_1054 = arith.constant 0 : i32
    %dma_wait3A_1055 = arith.constant 0 : i32
    %dma_wait3A_1056 = tpu.memref_slice %arg4[%dma_wait3A_1054, %dma_wait3A_1055] : memref<253952x128xi32, #tpu.memory_space<hbm>> -> memref<253952x128xi32, #tpu.memory_space<hbm>>
    tpu.wait_indirect_dma semaphore(%arg14 : memref<!tpu.dma_semaphore, #tpu.memory_space<semaphore_mem>>) src(%dma_wait3A_1056 : memref<253952x128xi32, #tpu.memory_space<hbm>>) dst(%dma_wait3A_1050 : memref<128x128xi32, #tpu.memory_space<vmem>>)
    %dma_wait3A_1057 = arith.constant 1 : i32
    %dma_wait3A_1058 = arith.constant 128 : i32
    %dma_wait3A_1059 = arith.constant 0 : i32
    %dma_wait3A_1060 = tpu.memref_slice %arg13[%dma_wait3A_1058, %dma_wait3A_1059] : memref<256x128xf32, #tpu.memory_space<vmem>> -> memref<128x128xf32, #tpu.memory_space<vmem>>
    %dma_wait3A_1061 = arith.constant 0 : i32
    %dma_wait3A_1062 = tpu.memref_slice %arg11[%dma_wait3A_1057, %dma_wait3A_1061] : memref<4x128xi32, #tpu.memory_space<vmem>> -> memref<1x128xi32, #tpu.memory_space<vmem>>
    %dma_wait3A_1063 = tpu.memref_squeeze %dma_wait3A_1062 : memref<1x128xi32, #tpu.memory_space<vmem>> -> memref<128xi32, #tpu.memory_space<vmem>>
    %dma_wait3A_1064 = arith.constant 0 : i32
    %dma_wait3A_1065 = arith.constant 0 : i32
    %dma_wait3A_1066 = tpu.memref_slice %arg5[%dma_wait3A_1064, %dma_wait3A_1065] : memref<256x128xf32, #tpu.memory_space<hbm>> -> memref<256x128xf32, #tpu.memory_space<hbm>>
    tpu.wait_indirect_dma semaphore(%arg14 : memref<!tpu.dma_semaphore, #tpu.memory_space<semaphore_mem>>) src(%dma_wait3A_1066 : memref<256x128xf32, #tpu.memory_space<hbm>>) dst(%dma_wait3A_1060 : memref<128x128xf32, #tpu.memory_space<vmem>>)
    %add3A_1067 = arith.constant 0 : i32
    %add3A_1068 = arith.addi %mul3A_2, %add3A_1067 : i32
    "tpu.region"() ({
      %run_scoped3A = tpu.sem_alloc : memref<!tpu.dma_semaphore, #tpu.memory_space<semaphore_mem>>
      %dma_start3A_1155 = arith.constant 0 : i32
      %dma_start3A_1156 = tpu.memref_slice %arg6[%add3A_1068, %dma_start3A_1155] : memref<16384x128xi32, #tpu.memory_space<hbm>> -> memref<256x128xi32, #tpu.memory_space<hbm>>
      %dma_start3A_1157 = arith.constant 0 : i32
      %dma_start3A_1158 = tpu.memref_slice %arg6[%add3A_1068, %dma_start3A_1157] : memref<16384x128xi32, #tpu.memory_space<hbm>> -> memref<256x128xi32, #tpu.memory_space<hbm>>
      tpu.enqueue_dma source(%arg12 : memref<256x128xi32, #tpu.memory_space<vmem>>) target(%dma_start3A_1158 : memref<256x128xi32, #tpu.memory_space<hbm>>) target_semaphore(%run_scoped3A : memref<!tpu.dma_semaphore, #tpu.memory_space<semaphore_mem>>)
      %dma_wait3A_1159 = arith.constant 0 : i32
      %dma_wait3A_1160 = tpu.memref_slice %arg6[%add3A_1068, %dma_wait3A_1159] : memref<16384x128xi32, #tpu.memory_space<hbm>> -> memref<256x128xi32, #tpu.memory_space<hbm>>
      %dma_wait3A_1161 = arith.constant 0 : i32
      %dma_wait3A_1162 = tpu.memref_slice %arg6[%add3A_1068, %dma_wait3A_1161] : memref<16384x128xi32, #tpu.memory_space<hbm>> -> memref<256x128xi32, #tpu.memory_space<hbm>>
      tpu.wait_dma2 semaphore(%run_scoped3A : memref<!tpu.dma_semaphore, #tpu.memory_space<semaphore_mem>>) src(%arg12 : memref<256x128xi32, #tpu.memory_space<vmem>>) dst(%dma_wait3A_1162 : memref<256x128xi32, #tpu.memory_space<hbm>>)
      tpu.yield
    }) : () -> ()
    %add3A_1069 = arith.constant 0 : i32
    %add3A_1070 = arith.addi %mul3A_2, %add3A_1069 : i32
    "tpu.region"() ({
      %run_scoped3A = tpu.sem_alloc : memref<!tpu.dma_semaphore, #tpu.memory_space<semaphore_mem>>
      %dma_start3A_1155 = arith.constant 0 : i32
      %dma_start3A_1156 = tpu.memref_slice %arg7[%add3A_1070, %dma_start3A_1155] : memref<16384x128xf32, #tpu.memory_space<hbm>> -> memref<256x128xf32, #tpu.memory_space<hbm>>
      %dma_start3A_1157 = arith.constant 0 : i32
      %dma_start3A_1158 = tpu.memref_slice %arg7[%add3A_1070, %dma_start3A_1157] : memref<16384x128xf32, #tpu.memory_space<hbm>> -> memref<256x128xf32, #tpu.memory_space<hbm>>
      tpu.enqueue_dma source(%arg13 : memref<256x128xf32, #tpu.memory_space<vmem>>) target(%dma_start3A_1158 : memref<256x128xf32, #tpu.memory_space<hbm>>) target_semaphore(%run_scoped3A : memref<!tpu.dma_semaphore, #tpu.memory_space<semaphore_mem>>)
      %dma_wait3A_1159 = arith.constant 0 : i32
      %dma_wait3A_1160 = tpu.memref_slice %arg7[%add3A_1070, %dma_wait3A_1159] : memref<16384x128xf32, #tpu.memory_space<hbm>> -> memref<256x128xf32, #tpu.memory_space<hbm>>
      %dma_wait3A_1161 = arith.constant 0 : i32
      %dma_wait3A_1162 = tpu.memref_slice %arg7[%add3A_1070, %dma_wait3A_1161] : memref<16384x128xf32, #tpu.memory_space<hbm>> -> memref<256x128xf32, #tpu.memory_space<hbm>>
      tpu.wait_dma2 semaphore(%run_scoped3A : memref<!tpu.dma_semaphore, #tpu.memory_space<semaphore_mem>>) src(%arg13 : memref<256x128xf32, #tpu.memory_space<vmem>>) dst(%dma_wait3A_1162 : memref<256x128xf32, #tpu.memory_space<hbm>>)
      tpu.yield
    }) : () -> ()
    %dma_start3A_1071 = arith.constant 2 : i32
    %dma_start3A_1072 = arith.constant 0 : i32
    %dma_start3A_1073 = arith.constant 0 : i32
    %dma_start3A_1074 = tpu.memref_slice %arg12[%dma_start3A_1072, %dma_start3A_1073] : memref<256x128xi32, #tpu.memory_space<vmem>> -> memref<128x128xi32, #tpu.memory_space<vmem>>
    %dma_start3A_1075 = arith.constant 0 : i32
    %dma_start3A_1076 = tpu.memref_slice %arg10[%dma_start3A_1071, %dma_start3A_1075] : memref<4x128xi32, #tpu.memory_space<vmem>> -> memref<1x128xi32, #tpu.memory_space<vmem>>
    %dma_start3A_1077 = tpu.memref_squeeze %dma_start3A_1076 : memref<1x128xi32, #tpu.memory_space<vmem>> -> memref<128xi32, #tpu.memory_space<vmem>>
    %dma_start3A_1078 = arith.constant 0 : i32
    %dma_start3A_1079 = arith.constant 0 : i32
    %dma_start3A_1080 = tpu.memref_slice %arg4[%dma_start3A_1078, %dma_start3A_1079] : memref<253952x128xi32, #tpu.memory_space<hbm>> -> memref<253952x128xi32, #tpu.memory_space<hbm>>
    tpu.enqueue_indirect_dma source(%dma_start3A_1080 : memref<253952x128xi32, #tpu.memory_space<hbm>>) target(%dma_start3A_1074 : memref<128x128xi32, #tpu.memory_space<vmem>>) offsets(%dma_start3A_1077 : memref<128xi32, #tpu.memory_space<vmem>>) semaphore(%arg14 : memref<!tpu.dma_semaphore, #tpu.memory_space<semaphore_mem>>)
    %dma_start3A_1081 = arith.constant 2 : i32
    %dma_start3A_1082 = arith.constant 0 : i32
    %dma_start3A_1083 = arith.constant 0 : i32
    %dma_start3A_1084 = tpu.memref_slice %arg13[%dma_start3A_1082, %dma_start3A_1083] : memref<256x128xf32, #tpu.memory_space<vmem>> -> memref<128x128xf32, #tpu.memory_space<vmem>>
    %dma_start3A_1085 = arith.constant 0 : i32
    %dma_start3A_1086 = tpu.memref_slice %arg11[%dma_start3A_1081, %dma_start3A_1085] : memref<4x128xi32, #tpu.memory_space<vmem>> -> memref<1x128xi32, #tpu.memory_space<vmem>>
    %dma_start3A_1087 = tpu.memref_squeeze %dma_start3A_1086 : memref<1x128xi32, #tpu.memory_space<vmem>> -> memref<128xi32, #tpu.memory_space<vmem>>
    %dma_start3A_1088 = arith.constant 0 : i32
    %dma_start3A_1089 = arith.constant 0 : i32
    %dma_start3A_1090 = tpu.memref_slice %arg5[%dma_start3A_1088, %dma_start3A_1089] : memref<256x128xf32, #tpu.memory_space<hbm>> -> memref<256x128xf32, #tpu.memory_space<hbm>>
    tpu.enqueue_indirect_dma source(%dma_start3A_1090 : memref<256x128xf32, #tpu.memory_space<hbm>>) target(%dma_start3A_1084 : memref<128x128xf32, #tpu.memory_space<vmem>>) offsets(%dma_start3A_1087 : memref<128xi32, #tpu.memory_space<vmem>>) semaphore(%arg14 : memref<!tpu.dma_semaphore, #tpu.memory_space<semaphore_mem>>)
    %dma_start3A_1091 = arith.constant 3 : i32
    %dma_start3A_1092 = arith.constant 128 : i32
    %dma_start3A_1093 = arith.constant 0 : i32
    %dma_start3A_1094 = tpu.memref_slice %arg12[%dma_start3A_1092, %dma_start3A_1093] : memref<256x128xi32, #tpu.memory_space<vmem>> -> memref<128x128xi32, #tpu.memory_space<vmem>>
    %dma_start3A_1095 = arith.constant 0 : i32
    %dma_start3A_1096 = tpu.memref_slice %arg10[%dma_start3A_1091, %dma_start3A_1095] : memref<4x128xi32, #tpu.memory_space<vmem>> -> memref<1x128xi32, #tpu.memory_space<vmem>>
    %dma_start3A_1097 = tpu.memref_squeeze %dma_start3A_1096 : memref<1x128xi32, #tpu.memory_space<vmem>> -> memref<128xi32, #tpu.memory_space<vmem>>
    %dma_start3A_1098 = arith.constant 0 : i32
    %dma_start3A_1099 = arith.constant 0 : i32
    %dma_start3A_1100 = tpu.memref_slice %arg4[%dma_start3A_1098, %dma_start3A_1099] : memref<253952x128xi32, #tpu.memory_space<hbm>> -> memref<253952x128xi32, #tpu.memory_space<hbm>>
    tpu.enqueue_indirect_dma source(%dma_start3A_1100 : memref<253952x128xi32, #tpu.memory_space<hbm>>) target(%dma_start3A_1094 : memref<128x128xi32, #tpu.memory_space<vmem>>) offsets(%dma_start3A_1097 : memref<128xi32, #tpu.memory_space<vmem>>) semaphore(%arg14 : memref<!tpu.dma_semaphore, #tpu.memory_space<semaphore_mem>>)
    %dma_start3A_1101 = arith.constant 3 : i32
    %dma_start3A_1102 = arith.constant 128 : i32
    %dma_start3A_1103 = arith.constant 0 : i32
    %dma_start3A_1104 = tpu.memref_slice %arg13[%dma_start3A_1102, %dma_start3A_1103] : memref<256x128xf32, #tpu.memory_space<vmem>> -> memref<128x128xf32, #tpu.memory_space<vmem>>
    %dma_start3A_1105 = arith.constant 0 : i32
    %dma_start3A_1106 = tpu.memref_slice %arg11[%dma_start3A_1101, %dma_start3A_1105] : memref<4x128xi32, #tpu.memory_space<vmem>> -> memref<1x128xi32, #tpu.memory_space<vmem>>
    %dma_start3A_1107 = tpu.memref_squeeze %dma_start3A_1106 : memref<1x128xi32, #tpu.memory_space<vmem>> -> memref<128xi32, #tpu.memory_space<vmem>>
    %dma_start3A_1108 = arith.constant 0 : i32
    %dma_start3A_1109 = arith.constant 0 : i32
    %dma_start3A_1110 = tpu.memref_slice %arg5[%dma_start3A_1108, %dma_start3A_1109] : memref<256x128xf32, #tpu.memory_space<hbm>> -> memref<256x128xf32, #tpu.memory_space<hbm>>
    tpu.enqueue_indirect_dma source(%dma_start3A_1110 : memref<256x128xf32, #tpu.memory_space<hbm>>) target(%dma_start3A_1104 : memref<128x128xf32, #tpu.memory_space<vmem>>) offsets(%dma_start3A_1107 : memref<128xi32, #tpu.memory_space<vmem>>) semaphore(%arg14 : memref<!tpu.dma_semaphore, #tpu.memory_space<semaphore_mem>>)
    %dma_wait3A_1111 = arith.constant 2 : i32
    %dma_wait3A_1112 = arith.constant 0 : i32
    %dma_wait3A_1113 = arith.constant 0 : i32
    %dma_wait3A_1114 = tpu.memref_slice %arg12[%dma_wait3A_1112, %dma_wait3A_1113] : memref<256x128xi32, #tpu.memory_space<vmem>> -> memref<128x128xi32, #tpu.memory_space<vmem>>
    %dma_wait3A_1115 = arith.constant 0 : i32
    %dma_wait3A_1116 = tpu.memref_slice %arg10[%dma_wait3A_1111, %dma_wait3A_1115] : memref<4x128xi32, #tpu.memory_space<vmem>> -> memref<1x128xi32, #tpu.memory_space<vmem>>
    %dma_wait3A_1117 = tpu.memref_squeeze %dma_wait3A_1116 : memref<1x128xi32, #tpu.memory_space<vmem>> -> memref<128xi32, #tpu.memory_space<vmem>>
    %dma_wait3A_1118 = arith.constant 0 : i32
    %dma_wait3A_1119 = arith.constant 0 : i32
    %dma_wait3A_1120 = tpu.memref_slice %arg4[%dma_wait3A_1118, %dma_wait3A_1119] : memref<253952x128xi32, #tpu.memory_space<hbm>> -> memref<253952x128xi32, #tpu.memory_space<hbm>>
    tpu.wait_indirect_dma semaphore(%arg14 : memref<!tpu.dma_semaphore, #tpu.memory_space<semaphore_mem>>) src(%dma_wait3A_1120 : memref<253952x128xi32, #tpu.memory_space<hbm>>) dst(%dma_wait3A_1114 : memref<128x128xi32, #tpu.memory_space<vmem>>)
    %dma_wait3A_1121 = arith.constant 2 : i32
    %dma_wait3A_1122 = arith.constant 0 : i32
    %dma_wait3A_1123 = arith.constant 0 : i32
    %dma_wait3A_1124 = tpu.memref_slice %arg13[%dma_wait3A_1122, %dma_wait3A_1123] : memref<256x128xf32, #tpu.memory_space<vmem>> -> memref<128x128xf32, #tpu.memory_space<vmem>>
    %dma_wait3A_1125 = arith.constant 0 : i32
    %dma_wait3A_1126 = tpu.memref_slice %arg11[%dma_wait3A_1121, %dma_wait3A_1125] : memref<4x128xi32, #tpu.memory_space<vmem>> -> memref<1x128xi32, #tpu.memory_space<vmem>>
    %dma_wait3A_1127 = tpu.memref_squeeze %dma_wait3A_1126 : memref<1x128xi32, #tpu.memory_space<vmem>> -> memref<128xi32, #tpu.memory_space<vmem>>
    %dma_wait3A_1128 = arith.constant 0 : i32
    %dma_wait3A_1129 = arith.constant 0 : i32
    %dma_wait3A_1130 = tpu.memref_slice %arg5[%dma_wait3A_1128, %dma_wait3A_1129] : memref<256x128xf32, #tpu.memory_space<hbm>> -> memref<256x128xf32, #tpu.memory_space<hbm>>
    tpu.wait_indirect_dma semaphore(%arg14 : memref<!tpu.dma_semaphore, #tpu.memory_space<semaphore_mem>>) src(%dma_wait3A_1130 : memref<256x128xf32, #tpu.memory_space<hbm>>) dst(%dma_wait3A_1124 : memref<128x128xf32, #tpu.memory_space<vmem>>)
    %dma_wait3A_1131 = arith.constant 3 : i32
    %dma_wait3A_1132 = arith.constant 128 : i32
    %dma_wait3A_1133 = arith.constant 0 : i32
    %dma_wait3A_1134 = tpu.memref_slice %arg12[%dma_wait3A_1132, %dma_wait3A_1133] : memref<256x128xi32, #tpu.memory_space<vmem>> -> memref<128x128xi32, #tpu.memory_space<vmem>>
    %dma_wait3A_1135 = arith.constant 0 : i32
    %dma_wait3A_1136 = tpu.memref_slice %arg10[%dma_wait3A_1131, %dma_wait3A_1135] : memref<4x128xi32, #tpu.memory_space<vmem>> -> memref<1x128xi32, #tpu.memory_space<vmem>>
    %dma_wait3A_1137 = tpu.memref_squeeze %dma_wait3A_1136 : memref<1x128xi32, #tpu.memory_space<vmem>> -> memref<128xi32, #tpu.memory_space<vmem>>
    %dma_wait3A_1138 = arith.constant 0 : i32
    %dma_wait3A_1139 = arith.constant 0 : i32
    %dma_wait3A_1140 = tpu.memref_slice %arg4[%dma_wait3A_1138, %dma_wait3A_1139] : memref<253952x128xi32, #tpu.memory_space<hbm>> -> memref<253952x128xi32, #tpu.memory_space<hbm>>
    tpu.wait_indirect_dma semaphore(%arg14 : memref<!tpu.dma_semaphore, #tpu.memory_space<semaphore_mem>>) src(%dma_wait3A_1140 : memref<253952x128xi32, #tpu.memory_space<hbm>>) dst(%dma_wait3A_1134 : memref<128x128xi32, #tpu.memory_space<vmem>>)
    %dma_wait3A_1141 = arith.constant 3 : i32
    %dma_wait3A_1142 = arith.constant 128 : i32
    %dma_wait3A_1143 = arith.constant 0 : i32
    %dma_wait3A_1144 = tpu.memref_slice %arg13[%dma_wait3A_1142, %dma_wait3A_1143] : memref<256x128xf32, #tpu.memory_space<vmem>> -> memref<128x128xf32, #tpu.memory_space<vmem>>
    %dma_wait3A_1145 = arith.constant 0 : i32
    %dma_wait3A_1146 = tpu.memref_slice %arg11[%dma_wait3A_1141, %dma_wait3A_1145] : memref<4x128xi32, #tpu.memory_space<vmem>> -> memref<1x128xi32, #tpu.memory_space<vmem>>
    %dma_wait3A_1147 = tpu.memref_squeeze %dma_wait3A_1146 : memref<1x128xi32, #tpu.memory_space<vmem>> -> memref<128xi32, #tpu.memory_space<vmem>>
    %dma_wait3A_1148 = arith.constant 0 : i32
    %dma_wait3A_1149 = arith.constant 0 : i32
    %dma_wait3A_1150 = tpu.memref_slice %arg5[%dma_wait3A_1148, %dma_wait3A_1149] : memref<256x128xf32, #tpu.memory_space<hbm>> -> memref<256x128xf32, #tpu.memory_space<hbm>>
    tpu.wait_indirect_dma semaphore(%arg14 : memref<!tpu.dma_semaphore, #tpu.memory_space<semaphore_mem>>) src(%dma_wait3A_1150 : memref<256x128xf32, #tpu.memory_space<hbm>>) dst(%dma_wait3A_1144 : memref<128x128xf32, #tpu.memory_space<vmem>>)
    %add3A_1151 = arith.constant 256 : i32
    %add3A_1152 = arith.addi %mul3A_2, %add3A_1151 : i32
    "tpu.region"() ({
      %run_scoped3A = tpu.sem_alloc : memref<!tpu.dma_semaphore, #tpu.memory_space<semaphore_mem>>
      %dma_start3A_1155 = arith.constant 0 : i32
      %dma_start3A_1156 = tpu.memref_slice %arg6[%add3A_1152, %dma_start3A_1155] : memref<16384x128xi32, #tpu.memory_space<hbm>> -> memref<256x128xi32, #tpu.memory_space<hbm>>
      %dma_start3A_1157 = arith.constant 0 : i32
      %dma_start3A_1158 = tpu.memref_slice %arg6[%add3A_1152, %dma_start3A_1157] : memref<16384x128xi32, #tpu.memory_space<hbm>> -> memref<256x128xi32, #tpu.memory_space<hbm>>
      tpu.enqueue_dma source(%arg12 : memref<256x128xi32, #tpu.memory_space<vmem>>) target(%dma_start3A_1158 : memref<256x128xi32, #tpu.memory_space<hbm>>) target_semaphore(%run_scoped3A : memref<!tpu.dma_semaphore, #tpu.memory_space<semaphore_mem>>)
      %dma_wait3A_1159 = arith.constant 0 : i32
      %dma_wait3A_1160 = tpu.memref_slice %arg6[%add3A_1152, %dma_wait3A_1159] : memref<16384x128xi32, #tpu.memory_space<hbm>> -> memref<256x128xi32, #tpu.memory_space<hbm>>
      %dma_wait3A_1161 = arith.constant 0 : i32
      %dma_wait3A_1162 = tpu.memref_slice %arg6[%add3A_1152, %dma_wait3A_1161] : memref<16384x128xi32, #tpu.memory_space<hbm>> -> memref<256x128xi32, #tpu.memory_space<hbm>>
      tpu.wait_dma2 semaphore(%run_scoped3A : memref<!tpu.dma_semaphore, #tpu.memory_space<semaphore_mem>>) src(%arg12 : memref<256x128xi32, #tpu.memory_space<vmem>>) dst(%dma_wait3A_1162 : memref<256x128xi32, #tpu.memory_space<hbm>>)
      tpu.yield
    }) : () -> ()
    %add3A_1153 = arith.constant 256 : i32
    %add3A_1154 = arith.addi %mul3A_2, %add3A_1153 : i32
    "tpu.region"() ({
      %run_scoped3A = tpu.sem_alloc : memref<!tpu.dma_semaphore, #tpu.memory_space<semaphore_mem>>
      %dma_start3A_1155 = arith.constant 0 : i32
      %dma_start3A_1156 = tpu.memref_slice %arg7[%add3A_1154, %dma_start3A_1155] : memref<16384x128xf32, #tpu.memory_space<hbm>> -> memref<256x128xf32, #tpu.memory_space<hbm>>
      %dma_start3A_1157 = arith.constant 0 : i32
      %dma_start3A_1158 = tpu.memref_slice %arg7[%add3A_1154, %dma_start3A_1157] : memref<16384x128xf32, #tpu.memory_space<hbm>> -> memref<256x128xf32, #tpu.memory_space<hbm>>
      tpu.enqueue_dma source(%arg13 : memref<256x128xf32, #tpu.memory_space<vmem>>) target(%dma_start3A_1158 : memref<256x128xf32, #tpu.memory_space<hbm>>) target_semaphore(%run_scoped3A : memref<!tpu.dma_semaphore, #tpu.memory_space<semaphore_mem>>)
      %dma_wait3A_1159 = arith.constant 0 : i32
      %dma_wait3A_1160 = tpu.memref_slice %arg7[%add3A_1154, %dma_wait3A_1159] : memref<16384x128xf32, #tpu.memory_space<hbm>> -> memref<256x128xf32, #tpu.memory_space<hbm>>
      %dma_wait3A_1161 = arith.constant 0 : i32
      %dma_wait3A_1162 = tpu.memref_slice %arg7[%add3A_1154, %dma_wait3A_1161] : memref<16384x128xf32, #tpu.memory_space<hbm>> -> memref<256x128xf32, #tpu.memory_space<hbm>>
      tpu.wait_dma2 semaphore(%run_scoped3A : memref<!tpu.dma_semaphore, #tpu.memory_space<semaphore_mem>>) src(%arg13 : memref<256x128xf32, #tpu.memory_space<vmem>>) dst(%dma_wait3A_1162 : memref<256x128xf32, #tpu.memory_space<hbm>>)
      tpu.yield
    }) : () -> ()
    return
  }
}

module attributes {stable_mosaic.version = 14 : i64} {
  func.func @_pack4_body(%arg0: memref<32x1024xf32, #tpu.memory_space<vmem>>, %arg1: memref<256x128xf32, #tpu.memory_space<vmem>>) attributes {dimension_semantics = [], scalar_prefetch = 0 : i64, scratch_operands = 0 : i64, tpu.core_type = #tpu.core_type<tc>} {
    %get3A = arith.constant 0 : index
    %get3A_0 = arith.constant 0 : index
    %get3A_1 = vector.load %arg0[%get3A, %get3A_0] : memref<32x1024xf32, #tpu.memory_space<vmem>>, vector<32x1024xf32>
    %transpose3A = tpu.transpose %get3A_1, [1, 0] : vector<32x1024xf32> -> vector<1024x32xf32>
    %slice3A = vector.extract_strided_slice %transpose3A {offsets = [0, 0], sizes = [256, 32], strides = [1, 1]} : vector<1024x32xf32> to vector<256x32xf32>
    %slice3A_2 = vector.extract_strided_slice %transpose3A {offsets = [256, 0], sizes = [256, 32], strides = [1, 1]} : vector<1024x32xf32> to vector<256x32xf32>
    %slice3A_3 = vector.extract_strided_slice %transpose3A {offsets = [512, 0], sizes = [256, 32], strides = [1, 1]} : vector<1024x32xf32> to vector<256x32xf32>
    %slice3A_4 = vector.extract_strided_slice %transpose3A {offsets = [768, 0], sizes = [256, 32], strides = [1, 1]} : vector<1024x32xf32> to vector<256x32xf32>
    %concatenate3A = tpu.concatenate %slice3A, %slice3A_2, %slice3A_3, %slice3A_4 in 1 : vector<256x32xf32>, vector<256x32xf32>, vector<256x32xf32>, vector<256x32xf32> -> vector<256x128xf32>
    %swap3A = arith.constant 0 : index
    %swap3A_5 = arith.constant 0 : index
    %swap3A_6 = vector.load %arg1[%swap3A, %swap3A_5] : memref<256x128xf32, #tpu.memory_space<vmem>>, vector<256x128xf32>
    tpu.vector_store %arg1[%swap3A, %swap3A_5], %concatenate3A {strides = array<i32>} : memref<256x128xf32, #tpu.memory_space<vmem>>, vector<256x128xf32>,
    return
  }
}

module attributes {stable_mosaic.version = 14 : i64} {
  func.func @_pack2_body(%arg0: i32, %arg1: memref<64x16384xf32, #tpu.memory_space<vmem>>, %arg2: memref<4096x128xi32, #tpu.memory_space<vmem>>) attributes {dimension_semantics = [#tpu.dimension_semantics<arbitrary>], iteration_bounds = array<i64: 62>, scalar_prefetch = 0 : i64, scratch_operands = 0 : i64, tpu.core_type = #tpu.core_type<tc>, window_params = [{transform_indices = @transform_0, window_bounds = array<i64: 64, 16384>}, {transform_indices = @transform_1, window_bounds = array<i64: 4096, 128>}]} {
    %get3A = arith.constant 0 : index
    %get3A_0 = arith.constant 0 : index
    %get3A_1 = vector.load %arg1[%get3A, %get3A_0] : memref<64x16384xf32, #tpu.memory_space<vmem>>, vector<64x16384xf32>
    %transpose3A = tpu.transpose %get3A_1, [1, 0] : vector<64x16384xf32> -> vector<16384x64xf32>
    %slice3A = vector.extract_strided_slice %transpose3A {offsets = [0, 0], sizes = [8192, 64], strides = [1, 1]} : vector<16384x64xf32> to vector<8192x64xf32>
    %convert_element_type3A = arith.truncf %slice3A : vector<8192x64xf32> to vector<8192x64xbf16>
    %slice3A_2 = vector.extract_strided_slice %transpose3A {offsets = [8192, 0], sizes = [8192, 64], strides = [1, 1]} : vector<16384x64xf32> to vector<8192x64xf32>
    %convert_element_type3A_3 = arith.truncf %slice3A_2 : vector<8192x64xf32> to vector<8192x64xbf16>
    %bitcast_convert_type3A = tpu.bitcast %convert_element_type3A : vector<8192x64xbf16> -> vector<8192x64xi16>
    %convert_element_type3A_4 = arith.extui %bitcast_convert_type3A : vector<8192x64xi16> to vector<8192x64xi32>
    %bitcast_convert_type3A_5 = tpu.bitcast %convert_element_type3A_3 : vector<8192x64xbf16> -> vector<8192x64xi16>
    %convert_element_type3A_6 = arith.extui %bitcast_convert_type3A_5 : vector<8192x64xi16> to vector<8192x64xi32>
    %shift_left3A = arith.constant 16 : i32
    %shift_left3A_7 = vector.broadcast %shift_left3A : i32 to vector<8192x64xi32>
    %shift_left3A_8 = arith.shli %convert_element_type3A_6, %shift_left3A_7 : vector<8192x64xi32>
    %or3A = arith.ori %convert_element_type3A_4, %shift_left3A_8 : vector<8192x64xi32>
    %slice3A_9 = vector.extract_strided_slice %or3A {offsets = [0, 0], sizes = [4096, 64], strides = [1, 1]} : vector<8192x64xi32> to vector<4096x64xi32>
    %slice3A_10 = vector.extract_strided_slice %or3A {offsets = [4096, 0], sizes = [4096, 64], strides = [1, 1]} : vector<8192x64xi32> to vector<4096x64xi32>
    %concatenate3A = tpu.concatenate %slice3A_9, %slice3A_10 in 1 : vector<4096x64xi32>, vector<4096x64xi32> -> vector<4096x128xi32>
    %swap3A = arith.constant 0 : index
    %swap3A_11 = arith.constant 0 : index
    %swap3A_12 = vector.load %arg2[%swap3A, %swap3A_11] : memref<4096x128xi32, #tpu.memory_space<vmem>>, vector<4096x128xi32>
    tpu.vector_store %arg2[%swap3A, %swap3A_11], %concatenate3A {strides = array<i32>} : memref<4096x128xi32, #tpu.memory_space<vmem>>, vector<4096x128xi32>,
    return
  }
  func.func @transform_0(%arg0: i32) -> (i32, i32) {
    %c0_i32 = arith.constant 0 : i32
    %c0_i32_0 = arith.constant 0 : i32
    return %c0_i32, %arg0 : i32, i32
  }
  func.func @transform_1(%arg0: i32) -> (i32, i32) {
    %c0_i32 = arith.constant 0 : i32
    %c0_i32_0 = arith.constant 0 : i32
    return %arg0, %c0_i32 : i32, i32
  }
}

module attributes {stable_mosaic.version = 14 : i64} {
  func.func @_mlp_body(%arg0: i32, %arg1: memref<2048x128xi32, #tpu.memory_space<vmem>>, %arg2: memref<2048x128xf32, #tpu.memory_space<vmem>>, %arg3: memref<2048x1xi32, #tpu.memory_space<vmem>>, %arg4: memref<2048x1xi32, #tpu.memory_space<vmem>>, %arg5: memref<2048x1xi32, #tpu.memory_space<vmem>>, %arg6: memref<12x16xf32, #tpu.memory_space<vmem>>, %arg7: memref<64x128xf32, #tpu.memory_space<vmem>>, %arg8: memref<32x128xf32, #tpu.memory_space<vmem>>, %arg9: memref<16x128xf32, #tpu.memory_space<vmem>>, %arg10: memref<1x128xf32, #tpu.memory_space<vmem>>, %arg11: memref<128x64xf32, #tpu.memory_space<vmem>>, %arg12: memref<1x64xf32, #tpu.memory_space<vmem>>, %arg13: memref<2048x64xf32, #tpu.memory_space<vmem>>) attributes {dimension_semantics = [#tpu.dimension_semantics<arbitrary>], iteration_bounds = array<i64: 8>, scalar_prefetch = 0 : i64, scratch_operands = 0 : i64, tpu.core_type = #tpu.core_type<tc>, window_params = [{transform_indices = @transform_0, window_bounds = array<i64: 2048, 128>}, {transform_indices = @transform_1, window_bounds = array<i64: 2048, 128>}, {transform_indices = @transform_2, window_bounds = array<i64: 2048, 1>}, {transform_indices = @transform_3, window_bounds = array<i64: 2048, 1>}, {transform_indices = @transform_4, window_bounds = array<i64: 2048, 1>}, {pipeline_mode = #tpu.pipeline_mode<synchronous>, transform_indices = @transform_5, window_bounds = array<i64: 12, 16>}, {pipeline_mode = #tpu.pipeline_mode<synchronous>, transform_indices = @transform_6, window_bounds = array<i64: 64, 128>}, {pipeline_mode = #tpu.pipeline_mode<synchronous>, transform_indices = @transform_7, window_bounds = array<i64: 32, 128>}, {pipeline_mode = #tpu.pipeline_mode<synchronous>, transform_indices = @transform_8, window_bounds = array<i64: 16, 128>}, {pipeline_mode = #tpu.pipeline_mode<synchronous>, transform_indices = @transform_9, window_bounds = array<i64: 1, 128>}, {pipeline_mode = #tpu.pipeline_mode<synchronous>, transform_indices = @transform_10, window_bounds = array<i64: 128, 64>}, {pipeline_mode = #tpu.pipeline_mode<synchronous>, transform_indices = @transform_11, window_bounds = array<i64: 1, 64>}, {transform_indices = @transform_12, window_bounds = array<i64: 2048, 64>}]} {
    %get3A = arith.constant 0 : index
    %get3A_0 = arith.constant 0 : index
    %get3A_1 = vector.load %arg1[%get3A, %get3A_0] : memref<2048x128xi32, #tpu.memory_space<vmem>>, vector<2048x128xi32>
    %get3A_2 = arith.constant 0 : index
    %get3A_3 = arith.constant 0 : index
    %get3A_4 = vector.load %arg3[%get3A_2, %get3A_3] : memref<2048x1xi32, #tpu.memory_space<vmem>>, vector<2048x1xi32>
    %shift_right_logical3A = arith.constant 12 : i32
    %shift_right_logical3A_5 = vector.broadcast %shift_right_logical3A : i32 to vector<2048x1xi32>
    %shift_right_logical3A_6 = arith.shrui %get3A_4, %shift_right_logical3A_5 : vector<2048x1xi32>
    %and3A = arith.constant 1 : i32
    %and3A_7 = vector.broadcast %and3A : i32 to vector<2048x1xi32>
    %and3A_8 = arith.andi %shift_right_logical3A_6, %and3A_7 : vector<2048x1xi32>
    %eq3A = arith.constant 1 : i32
    %eq3A_9 = vector.broadcast %eq3A : i32 to vector<2048x1xi32>
    %eq3A_10 = arith.cmpi eq, %and3A_8, %eq3A_9 : vector<2048x1xi32>
    %slice3A = vector.extract_strided_slice %get3A_1 {offsets = [0, 64], sizes = [2048, 64], strides = [1, 1]} : vector<2048x128xi32> to vector<2048x64xi32>
    %slice3A_11 = vector.extract_strided_slice %get3A_1 {offsets = [0, 0], sizes = [2048, 64], strides = [1, 1]} : vector<2048x128xi32> to vector<2048x64xi32>
    %broadcast_in_dim3A = vector.shape_cast %eq3A_10 : vector<2048x1xi1> to vector<2048x1xi1>
    %broadcast_in_dim3A_12 = vector.broadcast %broadcast_in_dim3A : vector<2048x1xi1> to vector<2048x64xi1>
    %select_n3A = arith.select %broadcast_in_dim3A_12, %slice3A, %slice3A_11 : vector<2048x64xi1>, vector<2048x64xi32>
    %shift_left3A = arith.constant 16 : i32
    %shift_left3A_13 = vector.broadcast %shift_left3A : i32 to vector<2048x64xi32>
    %shift_left3A_14 = arith.shli %select_n3A, %shift_left3A_13 : vector<2048x64xi32>
    %bitcast_convert_type3A = tpu.bitcast %shift_left3A_14 : vector<2048x64xi32> -> vector<2048x64xf32>
    %and3A_15 = arith.constant -65536 : i32
    %and3A_16 = vector.broadcast %and3A_15 : i32 to vector<2048x64xi32>
    %and3A_17 = arith.andi %select_n3A, %and3A_16 : vector<2048x64xi32>
    %bitcast_convert_type3A_18 = tpu.bitcast %and3A_17 : vector<2048x64xi32> -> vector<2048x64xf32>
    %shift_right_logical3A_19 = arith.constant 13 : i32
    %shift_right_logical3A_20 = vector.broadcast %shift_right_logical3A_19 : i32 to vector<2048x1xi32>
    %shift_right_logical3A_21 = arith.shrui %get3A_4, %shift_right_logical3A_20 : vector<2048x1xi32>
    %and3A_22 = arith.constant 1 : i32
    %and3A_23 = vector.broadcast %and3A_22 : i32 to vector<2048x1xi32>
    %and3A_24 = arith.andi %shift_right_logical3A_21, %and3A_23 : vector<2048x1xi32>
    %eq3A_25 = arith.constant 1 : i32
    %eq3A_26 = vector.broadcast %eq3A_25 : i32 to vector<2048x1xi32>
    %eq3A_27 = arith.cmpi eq, %and3A_24, %eq3A_26 : vector<2048x1xi32>
    %broadcast_in_dim3A_28 = vector.shape_cast %eq3A_27 : vector<2048x1xi1> to vector<2048x1xi1>
    %broadcast_in_dim3A_29 = vector.broadcast %broadcast_in_dim3A_28 : vector<2048x1xi1> to vector<2048x64xi1>
    %select_n3A_30 = arith.select %broadcast_in_dim3A_29, %bitcast_convert_type3A_18, %bitcast_convert_type3A : vector<2048x64xi1>, vector<2048x64xf32>
    %get3A_31 = arith.constant 0 : index
    %get3A_32 = arith.constant 0 : index
    %get3A_33 = vector.load %arg2[%get3A_31, %get3A_32] : memref<2048x128xf32, #tpu.memory_space<vmem>>, vector<2048x128xf32>
    %get3A_34 = arith.constant 0 : index
    %get3A_35 = arith.constant 0 : index
    %get3A_36 = vector.load %arg4[%get3A_34, %get3A_35] : memref<2048x1xi32, #tpu.memory_space<vmem>>, vector<2048x1xi32>
    %shift_right_logical3A_37 = arith.constant 8 : i32
    %shift_right_logical3A_38 = vector.broadcast %shift_right_logical3A_37 : i32 to vector<2048x1xi32>
    %shift_right_logical3A_39 = arith.shrui %get3A_36, %shift_right_logical3A_38 : vector<2048x1xi32>
    %broadcast_in_dim3A_40 = arith.constant 0.000000e+00 : f32
    %broadcast_in_dim3A_41 = vector.broadcast %broadcast_in_dim3A_40 : f32 to vector<2048x32xf32>
    %eq3A_42 = arith.constant 0 : i32
    %eq3A_43 = vector.broadcast %eq3A_42 : i32 to vector<2048x1xi32>
    %eq3A_44 = arith.cmpi eq, %shift_right_logical3A_39, %eq3A_43 : vector<2048x1xi32>
    %convert_element_type3A = arith.extui %eq3A_44 : vector<2048x1xi1> to vector<2048x1xi32>
    %convert_element_type3A_45 = arith.sitofp %convert_element_type3A : vector<2048x1xi32> to vector<2048x1xf32>
    %slice3A_46 = vector.extract_strided_slice %get3A_33 {offsets = [0, 0], sizes = [2048, 32], strides = [1, 1]} : vector<2048x128xf32> to vector<2048x32xf32>
    %mul3A = vector.broadcast %convert_element_type3A_45 : vector<2048x1xf32> to vector<2048x32xf32>
    %mul3A_47 = arith.mulf %slice3A_46, %mul3A : vector<2048x32xf32>
    %add3A = arith.addf %broadcast_in_dim3A_41, %mul3A_47 : vector<2048x32xf32>
    %eq3A_48 = arith.constant 1 : i32
    %eq3A_49 = vector.broadcast %eq3A_48 : i32 to vector<2048x1xi32>
    %eq3A_50 = arith.cmpi eq, %shift_right_logical3A_39, %eq3A_49 : vector<2048x1xi32>
    %convert_element_type3A_51 = arith.extui %eq3A_50 : vector<2048x1xi1> to vector<2048x1xi32>
    %convert_element_type3A_52 = arith.sitofp %convert_element_type3A_51 : vector<2048x1xi32> to vector<2048x1xf32>
    %slice3A_53 = vector.extract_strided_slice %get3A_33 {offsets = [0, 32], sizes = [2048, 32], strides = [1, 1]} : vector<2048x128xf32> to vector<2048x32xf32>
    %mul3A_54 = vector.broadcast %convert_element_type3A_52 : vector<2048x1xf32> to vector<2048x32xf32>
    %mul3A_55 = arith.mulf %slice3A_53, %mul3A_54 : vector<2048x32xf32>
    %add3A_56 = arith.addf %add3A, %mul3A_55 : vector<2048x32xf32>
    %eq3A_57 = arith.constant 2 : i32
    %eq3A_58 = vector.broadcast %eq3A_57 : i32 to vector<2048x1xi32>
    %eq3A_59 = arith.cmpi eq, %shift_right_logical3A_39, %eq3A_58 : vector<2048x1xi32>
    %convert_element_type3A_60 = arith.extui %eq3A_59 : vector<2048x1xi1> to vector<2048x1xi32>
    %convert_element_type3A_61 = arith.sitofp %convert_element_type3A_60 : vector<2048x1xi32> to vector<2048x1xf32>
    %slice3A_62 = vector.extract_strided_slice %get3A_33 {offsets = [0, 64], sizes = [2048, 32], strides = [1, 1]} : vector<2048x128xf32> to vector<2048x32xf32>
    %mul3A_63 = vector.broadcast %convert_element_type3A_61 : vector<2048x1xf32> to vector<2048x32xf32>
    %mul3A_64 = arith.mulf %slice3A_62, %mul3A_63 : vector<2048x32xf32>
    %add3A_65 = arith.addf %add3A_56, %mul3A_64 : vector<2048x32xf32>
    %eq3A_66 = arith.constant 3 : i32
    %eq3A_67 = vector.broadcast %eq3A_66 : i32 to vector<2048x1xi32>
    %eq3A_68 = arith.cmpi eq, %shift_right_logical3A_39, %eq3A_67 : vector<2048x1xi32>
    %convert_element_type3A_69 = arith.extui %eq3A_68 : vector<2048x1xi1> to vector<2048x1xi32>
    %convert_element_type3A_70 = arith.sitofp %convert_element_type3A_69 : vector<2048x1xi32> to vector<2048x1xf32>
    %slice3A_71 = vector.extract_strided_slice %get3A_33 {offsets = [0, 96], sizes = [2048, 32], strides = [1, 1]} : vector<2048x128xf32> to vector<2048x32xf32>
    %mul3A_72 = vector.broadcast %convert_element_type3A_70 : vector<2048x1xf32> to vector<2048x32xf32>
    %mul3A_73 = arith.mulf %slice3A_71, %mul3A_72 : vector<2048x32xf32>
    %add3A_74 = arith.addf %add3A_65, %mul3A_73 : vector<2048x32xf32>
    %get3A_75 = arith.constant 0 : index
    %get3A_76 = arith.constant 0 : index
    %get3A_77 = vector.load %arg5[%get3A_75, %get3A_76] : memref<2048x1xi32, #tpu.memory_space<vmem>>, vector<2048x1xi32>
    %iota3A = tpu.iota {dimensions = array<i32: 1>} : vector<2048x12xi32>
    %eq3A_78 = vector.broadcast %get3A_77 : vector<2048x1xi32> to vector<2048x12xi32>
    %eq3A_79 = arith.cmpi eq, %eq3A_78, %iota3A : vector<2048x12xi32>
    %convert_element_type3A_80 = arith.extui %eq3A_79 : vector<2048x12xi1> to vector<2048x12xi32>
    %convert_element_type3A_81 = arith.sitofp %convert_element_type3A_80 : vector<2048x12xi32> to vector<2048x12xf32>
    %get3A_82 = arith.constant 0 : index
    %get3A_83 = arith.constant 0 : index
    %get3A_84 = vector.load %arg6[%get3A_82, %get3A_83] : memref<12x16xf32, #tpu.memory_space<vmem>>, vector<12x16xf32>
    %dot_general3A = arith.constant dense<0.000000e+00> : vector<2048x16xf32>
    %dot_general3A_85 = tpu.matmul %convert_element_type3A_81, %get3A_84, %dot_general3A {dimension_numbers = #tpu.dot_dimension_numbers<[1], [0], [0], [1], [0, 0, 1, 1], [], []>, transpose_lhs_hint = false} : vector<2048x12xf32>, vector<12x16xf32>, vector<2048x16xf32> -> vector<2048x16xf32>
    %get3A_86 = arith.constant 0 : index
    %get3A_87 = arith.constant 0 : index
    %get3A_88 = vector.load %arg7[%get3A_86, %get3A_87] : memref<64x128xf32, #tpu.memory_space<vmem>>, vector<64x128xf32>
    %dot_general3A_89 = arith.constant dense<0.000000e+00> : vector<2048x128xf32>
    %dot_general3A_90 = tpu.matmul %select_n3A_30, %get3A_88, %dot_general3A_89 {dimension_numbers = #tpu.dot_dimension_numbers<[1], [0], [0], [1], [0, 0, 1, 1], [], []>, transpose_lhs_hint = false} : vector<2048x64xf32>, vector<64x128xf32>, vector<2048x128xf32> -> vector<2048x128xf32>
    %get3A_91 = arith.constant 0 : index
    %get3A_92 = arith.constant 0 : index
    %get3A_93 = vector.load %arg8[%get3A_91, %get3A_92] : memref<32x128xf32, #tpu.memory_space<vmem>>, vector<32x128xf32>
    %dot_general3A_94 = arith.constant dense<0.000000e+00> : vector<2048x128xf32>
    %dot_general3A_95 = tpu.matmul %add3A_74, %get3A_93, %dot_general3A_94 {dimension_numbers = #tpu.dot_dimension_numbers<[1], [0], [0], [1], [0, 0, 1, 1], [], []>, transpose_lhs_hint = false} : vector<2048x32xf32>, vector<32x128xf32>, vector<2048x128xf32> -> vector<2048x128xf32>
    %add3A_96 = arith.addf %dot_general3A_90, %dot_general3A_95 : vector<2048x128xf32>
    %get3A_97 = arith.constant 0 : index
    %get3A_98 = arith.constant 0 : index
    %get3A_99 = vector.load %arg9[%get3A_97, %get3A_98] : memref<16x128xf32, #tpu.memory_space<vmem>>, vector<16x128xf32>
    %dot_general3A_100 = arith.constant dense<0.000000e+00> : vector<2048x128xf32>
    %dot_general3A_101 = tpu.matmul %dot_general3A_85, %get3A_99, %dot_general3A_100 {dimension_numbers = #tpu.dot_dimension_numbers<[1], [0], [0], [1], [0, 0, 1, 1], [], []>, transpose_lhs_hint = false} : vector<2048x16xf32>, vector<16x128xf32>, vector<2048x128xf32> -> vector<2048x128xf32>
    %add3A_102 = arith.addf %add3A_96, %dot_general3A_101 : vector<2048x128xf32>
    %get3A_103 = arith.constant 0 : index
    %get3A_104 = arith.constant 0 : index
    %get3A_105 = vector.load %arg10[%get3A_103, %get3A_104] : memref<1x128xf32, #tpu.memory_space<vmem>>, vector<1x128xf32>
    %add3A_106 = vector.broadcast %get3A_105 : vector<1x128xf32> to vector<2048x128xf32>
    %add3A_107 = arith.addf %add3A_102, %add3A_106 : vector<2048x128xf32>
    %max3A = arith.constant 0.000000e+00 : f32
    %max3A_108 = vector.broadcast %max3A : f32 to vector<2048x128xf32>
    %max3A_109 = arith.maximumf %add3A_107, %max3A_108 : vector<2048x128xf32>
    %get3A_110 = arith.constant 0 : index
    %get3A_111 = arith.constant 0 : index
    %get3A_112 = vector.load %arg11[%get3A_110, %get3A_111] : memref<128x64xf32, #tpu.memory_space<vmem>>, vector<128x64xf32>
    %dot_general3A_113 = arith.constant dense<0.000000e+00> : vector<2048x64xf32>
    %dot_general3A_114 = tpu.matmul %max3A_109, %get3A_112, %dot_general3A_113 {dimension_numbers = #tpu.dot_dimension_numbers<[1], [0], [0], [1], [0, 0, 1, 1], [], []>, transpose_lhs_hint = false} : vector<2048x128xf32>, vector<128x64xf32>, vector<2048x64xf32> -> vector<2048x64xf32>
    %get3A_115 = arith.constant 0 : index
    %get3A_116 = arith.constant 0 : index
    %get3A_117 = vector.load %arg12[%get3A_115, %get3A_116] : memref<1x64xf32, #tpu.memory_space<vmem>>, vector<1x64xf32>
    %add3A_118 = vector.broadcast %get3A_117 : vector<1x64xf32> to vector<2048x64xf32>
    %add3A_119 = arith.addf %dot_general3A_114, %add3A_118 : vector<2048x64xf32>
    %swap3A = arith.constant 0 : index
    %swap3A_120 = arith.constant 0 : index
    %swap3A_121 = vector.load %arg13[%swap3A, %swap3A_120] : memref<2048x64xf32, #tpu.memory_space<vmem>>, vector<2048x64xf32>
    tpu.vector_store %arg13[%swap3A, %swap3A_120], %add3A_119 {strides = array<i32>} : memref<2048x64xf32, #tpu.memory_space<vmem>>, vector<2048x64xf32>,
    return
  }
  func.func @transform_0(%arg0: i32) -> (i32, i32) {
    %c0_i32 = arith.constant 0 : i32
    %c0_i32_0 = arith.constant 0 : i32
    return %arg0, %c0_i32 : i32, i32
  }
  func.func @transform_1(%arg0: i32) -> (i32, i32) {
    %c0_i32 = arith.constant 0 : i32
    %c0_i32_0 = arith.constant 0 : i32
    return %arg0, %c0_i32 : i32, i32
  }
  func.func @transform_2(%arg0: i32) -> (i32, i32) {
    %c0_i32 = arith.constant 0 : i32
    %c0_i32_0 = arith.constant 0 : i32
    return %arg0, %c0_i32 : i32, i32
  }
  func.func @transform_3(%arg0: i32) -> (i32, i32) {
    %c0_i32 = arith.constant 0 : i32
    %c0_i32_0 = arith.constant 0 : i32
    return %arg0, %c0_i32 : i32, i32
  }
  func.func @transform_4(%arg0: i32) -> (i32, i32) {
    %c0_i32 = arith.constant 0 : i32
    %c0_i32_0 = arith.constant 0 : i32
    return %arg0, %c0_i32 : i32, i32
  }
  func.func @transform_5(%arg0: i32) -> (i32, i32) {
    %c0_i32 = arith.constant 0 : i32
    %c0_i32_0 = arith.constant 0 : i32
    %c0_i32_1 = arith.constant 0 : i32
    return %c0_i32, %c0_i32_0 : i32, i32
  }
  func.func @transform_6(%arg0: i32) -> (i32, i32) {
    %c0_i32 = arith.constant 0 : i32
    %c0_i32_0 = arith.constant 0 : i32
    %c0_i32_1 = arith.constant 0 : i32
    return %c0_i32, %c0_i32_0 : i32, i32
  }
  func.func @transform_7(%arg0: i32) -> (i32, i32) {
    %c0_i32 = arith.constant 0 : i32
    %c0_i32_0 = arith.constant 0 : i32
    %c0_i32_1 = arith.constant 0 : i32
    return %c0_i32, %c0_i32_0 : i32, i32
  }
  func.func @transform_8(%arg0: i32) -> (i32, i32) {
    %c0_i32 = arith.constant 0 : i32
    %c0_i32_0 = arith.constant 0 : i32
    %c0_i32_1 = arith.constant 0 : i32
    return %c0_i32, %c0_i32_0 : i32, i32
  }
  func.func @transform_9(%arg0: i32) -> (i32, i32) {
    %c0_i32 = arith.constant 0 : i32
    %c0_i32_0 = arith.constant 0 : i32
    %c0_i32_1 = arith.constant 0 : i32
    return %c0_i32, %c0_i32_0 : i32, i32
  }
  func.func @transform_10(%arg0: i32) -> (i32, i32) {
    %c0_i32 = arith.constant 0 : i32
    %c0_i32_0 = arith.constant 0 : i32
    %c0_i32_1 = arith.constant 0 : i32
    return %c0_i32, %c0_i32_0 : i32, i32
  }
  func.func @transform_11(%arg0: i32) -> (i32, i32) {
    %c0_i32 = arith.constant 0 : i32
    %c0_i32_0 = arith.constant 0 : i32
    %c0_i32_1 = arith.constant 0 : i32
    return %c0_i32, %c0_i32_0 : i32, i32
  }
  func.func @transform_12(%arg0: i32) -> (i32, i32) {
    %c0_i32 = arith.constant 0 : i32
    %c0_i32_0 = arith.constant 0 : i32
    return %arg0, %c0_i32 : i32, i32
  }
}

</mosaic_0001>

<sc_bundles>
// kernel: kernel.6.cloned.1.call-start
scs
__scs_entry_jumppad:
0x0: {  	(pc) =	sbr.rel $0x88, $3  }
0x1: {  	(tag) =	ssettag $0x0;
	lr =	simm.s32 $0x1  }
0x2: {  	[smem:$0x3F97] =	sst lr;
	_ =	strace $0xD0000000  }
0x3: {  	_ = 	snop  }
0x4: {  	_ = 	snop  }
0x5: {  	_ = 	snop  }
0x6: {  	_ = 	snop  }
0x7: {  	_ = 	snop  }
__scs_overlays_trampoline_lowered:
0x8: {  	[smem:$0x3FA6] =	sst s0  }
0x9: {  	[smem:$0x3FA7] =	sst s1  }
0xa: {  	[smem:$0x3FA8] =	sst s2  }
0xb: {  	[smem:$0x3FA9] =	sst s3  }
0xc: {  	[smem:$0x3FAA] =	sst s4  }
0xd: {  	[smem:$0x3FAB] =	sst s5  }
0xe: {  	[smem:$0x3FAC] =	sst s6  }
0xf: {  	[smem:$0x3FAD] =	sst s7  }
0x10: {  	[smem:$0x3FAE] =	sst s8  }
0x11: {  	[smem:$0x3FAF] =	sst s9;
	s0 =	simm.s32 @!p0 $0x0  }
0x12: {  	s1 =	sld [smem:$0x3F95];
	s0 =	simm.s32 @p0 $0x1  }
0x13: {  	[smem:$0x3FB0] =	sst s0;
	s0 =	simm.s32 @!p1 $0x0  }
0x14: {  	s2 =	sld [smem:$0x3F94];
	s0 =	simm.s32 @p1 $0x1  }
0x15: {  	[smem:$0x3FB1] =	sst s0;
	s0 =	simm.s32 @!p2 $0x0  }
0x16: {  	s3 =	sld [smem:$0x3FDB];
	s0 =	simm.s32 @p2 $0x1  }
0x17: {  	s4 =	simm.s32 $0x1BF5;
	[smem:$0x3FB3] =	sst s0  }
0x18: {  	s0 =	sld [smem:$0x3F96];
	_ =	swait.ge [sflag:s4], $0x0  }
0x19: {  	s7 =	sld [smem:$0x3F97]  }
0x1a: {  	s8 =	sadd.s32 $0xFFFFE003, lr  }
0x1b: {  	s9 =	sadd.s32 $0xFFFFFEF7, lr;
	s5 =	simm.s32 $0xFFFFFFFF;
	p2 =	slt.u32 s8, $0xFFFFF086  }
0x1c: {  	p1 =	slt.u32 s9, $0xF7A;
	s5 =	simm.s32 @!p2 $0x0  }
0x1d: {  	s5 =	simm.s32 @p1 $0x1;
	p0 =	seq.s32 s7, s2  }
0x1e: {  	s7 =	smul.u32 @!p0 $0xF7A, s2;
	p2 =	seq.s32 @!p0 s5, $0x0  }
0x1f: {  	s9 =	smul.u32 $0xF7A, s1;
	s8 =	simm.s32 @!p0 $0x1BF5;
	p2 =	por !p2, p0  }
0x20: {  	[sflag:s8] =	ssyncset.s32 @!p0 $0xFFFFF086;
	s6 =	sadd.s32 @!p0 s3, s7;
	s7 =	simm.s32 @!p0 $0x108  }
0x21: {  	s3 =	sadd.s32 s3, s9;
	s6 =	sadd.s32 @!p0 $0x88, s6;
	s7 =	simm.s32 @p2 $0x1082  }
0x22: {  	[simem:s7], [sflag:s8] =	dma.local @!p0 [hbm:s6], $0xF7A  }
0x23: {  	s9 =	sor.u32 $0xD0000000, s2;
	s6 =	simm.s32 $0x108;
	_ =	swait.ge @!p0 [sflag:s8], $0x0  }
0x24: {  	s3 =	sadd.s32 $0x88, s3;
	s6 =	simm.s32 @!p1 $0x1082;
	[sflag:s4] =	ssyncset.s32 $0xFFFFF086  }
0x25: {  	[simem:s6], [sflag:s4] =	dma.local [hbm:s3], $0xF7A  }
0x26: {  	[smem:$0x3F97] =	sst s1;
	(tag) =	ssettag s2;
	_ =	strace s9  }
0x27: {  	s1 =	sld [smem:$0x3FA7]  }
0x28: {  	s2 =	sld [smem:$0x3FA8]  }
0x29: {  	s4 =	sld [smem:$0x3FAA]  }
0x2a: {  	p0 =	seq.s32 s5, $0x0;
	s5 =	sld [smem:$0x3FAB]  }
0x2b: {  	s6 =	sld [smem:$0x3FAC]  }
0x2c: {  	s7 =	sld [smem:$0x3FAD]  }
0x2d: {  	s3 =	simm.s32 $0x108;
	s8 =	sld [smem:$0x3FAE]  }
0x2e: {  	s3 =	simm.s32 @!p0 $0x1082;
	s9 =	sld [smem:$0x3FAF]  }
0x2f: {  	lr =	sadd.s32 s0, s3;
	s0 =	sld [smem:$0x3FA6]  }
0x30: {  	s3 =	sld [smem:$0x3FA9]  }
0x31: {  	[smem:$0x3FB2] =	sst s10  }
0x32: {  	s10 =	sld [smem:$0x3FB0];
	_ =	sdelay $0x3  }
0x33: {  	p0 =	seq.s32 s10, $0x1;
	s10 =	sld [smem:$0x3FB2];
	_ =	sdelay $0x3  }
0x34: {  	[smem:$0x3FB2] =	sst s10  }
0x35: {  	s10 =	sld [smem:$0x3FB1];
	_ =	sdelay $0x3  }
0x36: {  	p1 =	seq.s32 s10, $0x1;
	s10 =	sld [smem:$0x3FB2];
	_ =	sdelay $0x3  }
0x37: {  	[smem:$0x3FB2] =	sst s10  }
0x38: {  	s10 =	sld [smem:$0x3FB3]  }
0x39: {  	_ = 	snop;
	(pc) =	sbr.ind lr, $3  }
0x3a: {  	_ = 	snop  }
0x3b: {  	_ = 	snop  }
0x3c: {  	p2 =	seq.s32 s10, $0x1;
	s10 =	sld [smem:$0x3FB2]  }
0x3d: {  	_ =	shalt  }
0x3e: {  	_ =	shalt  }
0x3f: {  	_ =	shalt  }
0x40: {  	_ =	shalt  }
0x41: {  	_ =	shalt  }
0x42: {  	_ =	shalt  }
0x43: {  	_ =	shalt  }
0x44: {  	_ =	shalt  }
0x45: {  	_ =	shalt  }
0x46: {  	_ =	shalt  }
0x47: {  	_ =	shalt  }
0x48: {  	_ =	shalt  }
0x49: {  	_ =	shalt  }
0x4a: {  	_ =	shalt  }
0x4b: {  	_ =	shalt  }
0x4c: {  	_ =	shalt  }
0x4d: {  	_ =	shalt  }
0x4e: {  	_ =	shalt  }
0x4f: {  	_ =	shalt  }
0x50: {  	_ =	shalt  }
0x51: {  	_ =	shalt  }
0x52: {  	_ =	shalt  }
0x53: {  	_ =	shalt  }
0x54: {  	_ =	shalt  }
0x55: {  	_ =	shalt  }
0x56: {  	_ =	shalt  }
0x57: {  	_ =	shalt  }
0x58: {  	_ =	shalt  }
0x59: {  	_ =	shalt  }
0x5a: {  	_ =	shalt  }
0x5b: {  	_ =	shalt  }
0x5c: {  	_ =	shalt  }
0x5d: {  	_ =	shalt  }
0x5e: {  	_ =	shalt  }
0x5f: {  	_ =	shalt  }
0x60: {  	_ =	shalt  }
0x61: {  	_ =	shalt  }
0x62: {  	_ =	shalt  }
0x63: {  	_ =	shalt  }
0x64: {  	_ =	shalt  }
0x65: {  	_ =	shalt  }
0x66: {  	_ =	shalt  }
0x67: {  	_ =	shalt  }
0x68: {  	_ =	shalt  }
0x69: {  	_ =	shalt  }
0x6a: {  	_ =	shalt  }
0x6b: {  	_ =	shalt  }
0x6c: {  	_ =	shalt  }
0x6d: {  	_ =	shalt  }
0x6e: {  	_ =	shalt  }
0x6f: {  	_ =	shalt  }
0x70: {  	_ =	shalt  }
0x71: {  	_ =	shalt  }
0x72: {  	_ =	shalt  }
0x73: {  	_ =	shalt  }
0x74: {  	_ =	shalt  }
0x75: {  	_ =	shalt  }
0x76: {  	_ =	shalt  }
0x77: {  	_ =	shalt  }
0x78: {  	_ =	shalt  }
0x79: {  	_ =	shalt  }
0x7a: {  	_ =	shalt  }
0x7b: {  	_ =	shalt  }
0x7c: {  	_ =	shalt  }
0x7d: {  	_ =	shalt  }
0x7e: {  	_ =	shalt  }
0x7f: {  	_ =	shalt  }
0x80: {  	_ =	shalt  }
0x81: {  	_ =	shalt  }
0x82: {  	_ =	shalt  }
0x83: {  	_ =	shalt  }
0x84: {  	_ =	shalt  }
0x85: {  	_ =	shalt  }
0x86: {  	_ =	shalt  }
0x87: {  	_ =	shalt  }
.Lfunc_end0:
.L_simem_size_0:
called_computation_lowered:
.L_overlay_start_0:
0x88: {  	s2 =	sld [smem:$0x3FD9]  }
0x89: {  	s3 =	sld [smem:$0x3FFE];
	_ =	sdelay $0x1  }
0x8a: {  	s1 =	srdreg.scid  }
0x8b: {  	s0 =	sand.u32 $0x1, s1  }
0x8c: {  	s17 =	sshll.u32 s0, $0xA;
	s2 =	sadd.s32 s3, s2  }
0x8d: {  	s2 =	sadd.s32 s2, s17  }
0x8e: {  	[smem:$0x3FBE] =	sst s2  }
0x8f: {  	_ = 	snop  }
0x90: {  	s2 =	sld [smem:$0x3FC9]  }
0x91: {  	s18 =	sld [smem:$0x3FC8]  }
0x92: {  	s4 =	sld [smem:$0x3FD0];
	(tm) =	ssettm $0x1  }
0x93: {  	s5 =	sld [smem:$0x3FFB];
	_ =	sdelay $0x3  }
0x94: {  	_ =	strace s5  }
0x95: {  	s5 =	sld [smem:$0x3FFC];
	_ =	sdelay $0x3  }
0x96: {  	_ =	strace s5  }
0x97: {  	s5 =	sld [smem:$0x3FFD];
	_ =	sdelay $0x3  }
0x98: {  	_ =	strace s5  }
0x99: {  	_ =	strace $0x8FFFFFFF  }
0x9a: {  	s19 =	sld [smem:$0x3FDB];
	_ =	sdelay $0x1  }
0x9b: {  	s6 =	simm.s32 $_scs_section_size  }
0x9c: {  	s7 =	simm.s32 $_size__tile_overlayer_lowered;
	s8 =	simm.s32 $_tile_overlayer_lowered  }
0x9d: {  	s22 =	simm.s32 $0x1BFF;
	s21 =	sshll.u32 s8, $0x1;
	s5 =	sadd.s32 s6, s19  }
0x9e: {  	s9 =	simm.s32 $0x0;
	s20 =	sshll.u32 s7, $0x1;
	s7 =	sadd.s32 s21, s5  }
0x9f: {  	[timem:s9], [sflag:s22] =	dma.local [hbm:s7], s20  }
0xa0: {  	_ =	swait.ge [sflag:s22], s20  }
0xa1: {  	s6 =	ssub.s32 $0x0, s20;
	[sflag:s22] =	ssyncset.done $0x0  }
0xa2: {  	[sflag:s22] =	ssyncadd.s32 s6;
	_ =	sdelay $0x1  }
0xa3: {  	s23 =	simm.s32 $0x1B8B  }
0xa4: {  	_ =	swait.ge [sflag:s23], $0x1  }
0xa5: {  	[sflag:s23] =	ssyncset.done $0x0  }
0xa6: {  	s25 =	simm.s32 $0x1B8E;
	s24 =	sld [smem:$0x3FFE];
	[sflag:s23] =	ssyncadd.s32 $0xFFFFFFFF  }
0xa7: {  	s26 =	simm.s32 $execute0_lowered;
	[smem:$0x3FD2] =	sst s25  }
0xa8: {  	s7 =	sshll.u32 s26, $0x1;
	_ =	strace $0x80000046;
	[dreg:$0x1] =	wrdreg $0xFFFFFFFF  }
0xa9: {  	s28 =	simm.s32 $_size_execute0_lowered;
	s5 =	sadd.s32 s5, s7;
	[dreg:$0x0] =	wrdreg $0x0  }
0xaa: {  	s7 =	sshll.u32 s28, $0x1;
	[dreg:$0x2] =	wrdreg s5  }
0xab: {  	[dreg:$0x3] =	wrdreg s7  }
0xac: {  	[dreg:$0x4] =	wrdreg $0xC0  }
0xad: {  	_ =	task [dreg:s9], $0x5FFFF  }
0xae: {  	[dreg:$0x1] =	wrdreg $0xFFFFFFFF  }
0xaf: {  	[dreg:$0x0] =	wrdreg $0x60  }
0xb0: {  	[dreg:$0x2] =	wrdreg s2  }
0xb1: {  	[dreg:$0x3] =	wrdreg s18  }
0xb2: {  	[dreg:$0x4] =	wrdreg s24  }
0xb3: {  	[dreg:$0x5] =	wrdreg s4  }
0xb4: {  	[dreg:$0x6] =	wrdreg $0x9  }
0xb5: {  	_ =	task.clear_ibuf [dreg:s9], $0x7FFFF;
	_ =	strace $0x90000046  }
0xb6: {  	s29 =	simm.s32 $0x9;
	_ =	strace $0x80000048  }
0xb7: {  	_ =	swait.ge [sflag:s29], $0x1  }
0xb8: {  	[sflag:s29] =	ssyncadd.s32 $0xFFFFFFFF  }
0xb9: {  	_ =	strace $0x90000048  }
0xba: {  	_ =	sfence  }
0xbb: {  	s30 =	sld [smem:$0x0];
	_ =	sdelay $0x2  }
0xbc: {  	s31 =	sshll.u32 s1, $0xD;
	s1 =	sshrl.u32 s1, $0x2  }
0xbd: {  	s3 =	sand.u32 $0x4000, s31;
	s1 =	sadd.s32 s1, s30  }
0xbe: {  	s0 =	sor.u32 s3, s0;
	s1 =	sshll.u32 s1, $0x11  }
0xbf: {  	s0 =	sor.u32 s1, s0  }
0xc0: {  	s0 =	sadd.s32 $0x8F2B, s0  }
0xc1: {  	[sflag:s0] =	ssyncadd.remote.s32 $0x1  }
0xc2: {  	_ =	sfence.sel $0xFFFF  }
0xc3: {  	[dreg:$0x0] =	wrdreg $0xFFFFFFFF;
	(pc) =	sbr.abs _section_cstart, $3  }
0xc4: {  	[dreg:$0x1] =	wrdreg $0xFFFFFFFF  }
0xc5: {  	_ =	task.clear_ibuf [dreg:s9], $0x2FFFF;
	_ =	strace $0x9FFFFFFF  }
0xc6: {  	(tm) =	ssettm $0x7FFFFFFF  }
0xc7: {  	_ =	shalt  }
tec
execute0_lowered:
.L_overlay_start_1:
0x0: {  	(tag) =	ssettag $0x1  }
0x1: {  	s5 =	rddreg [dreg:$0x0]  }
0x2: {  	s6 =	rddreg [dreg:$0x1]  }
0x3: {  	s7 =	rddreg [dreg:$0x2]  }
0x4: {  	s1 =	rddreg [dreg:$0x3]  }
0x5: {  	s0 =	rddreg [dreg:$0x4];
	s2 =	simm.s32 $0x0;
	s8 =	srdreg.scid  }
0x6: {  	s3 =	stileid.u32;
	s13 =	simm.s32 $0x200;
	s14 =	simm.s32 $0x80  }
0x7: {  	s15 =	simm.s32 $0x400;
	s16 =	simm.s32 $0x800;
	s17 =	simm.s32 $0x600  }
0x8: {  	s18 =	simm.s32 $0x8800;
	s19 =	simm.s32 $0x480;
	s20 =	simm.s32 $0x4800  }
0x9: {  	s21 =	simm.s32 $0x680;
	s22 =	simm.s32 $0xC800;
	s23 =	simm.s32 $0x1  }
0xa: {  	s24 =	simm.s32 $0x500;
	s25 =	simm.s32 $0x700;
	s28 =	simm.s32 $0x780  }
0xb: {  	[smem:$0x7FF] =	sst s2;
	s4 =	sadd.s32 $0x1E00, s7;
	s8 =	sand.u32 $0x1, s8  }
0xc: {  	s9 =	sadd.s32 $0x3E1E00, s7;
	s11 =	sshll.u32 s3, $0xA;
	s10 =	ssub.s32 $0x2, s8  }
0xd: {  	s12 =	sadd.s32 $0x421E00, s7;
	s8 =	sshll.u32 s8, $0x9;
	s26 =	sshrl.u32 s10, $0x1  }
0xe: {  	_ =	strace $0x80000047;
	s8 =	sor.u32 s8, s11;
	s29 =	ssub.s32 s10, s26  }
0xf: {  	s30 =	sshrl.u32 s8, $0x3;
	s8 =	sshll.u32 s8, $0x4;
	s26 =	simm.s32 $0x580  }
0x10: {  	s5 =	sadd.s32 s5, s30;
	s6 =	sadd.s32 s6, s30;
	s31 =	sor.u32 $0x1000, s8  }
0x11: {  	s7 =	sadd.s32 s9, s8;
	s8 =	sadd.s32 s12, s8;
	s11 =	smax.u32 s29, $0x1  }
0x12: {  	s9 =	sadd.s32 s9, s31;
	s10 =	sadd.s32 s12, s31;
	s12 =	simm.s32 $0x2  }
.LBB2_1:
0x13: {  	[tilespmem:s2], [sflag:$0x2] =	stream.linear.gather [hbm4b:s5+s2], $0x200, $0x38;
	[tilespmem:$0x10800] =	vst v63  }
0x14: {  	_ =	swait.ge [sflag:s12], $0x200  }
0x15: {  	[sflag:s12] =	ssyncset.done $0x0  }
0x16: {  	[sflag:s12] =	ssyncadd.s32 $0xFFFFFE00  }
0x17: {  	[tilespmem:s13], [sflag:$0x2] =	stream.linear.gather [hbm4b:s6+s2], $0x200, $0x38;
	[tilespmem:$0x10800] =	vst v63  }
0x18: {  	_ =	swait.ge [sflag:s12], $0x200  }
0x19: {  	[sflag:s12] =	ssyncset.done $0x0  }
0x1a: {  	[sflag:s12] =	ssyncadd.s32 $0xFFFFFE00  }
0x1b: {  	v0 =	vld [tilespmem:$0x0]  }
0x1c: {  	v1 =	vld [tilespmem:$0x10]  }
0x1d: {  	v2 =	vld [tilespmem:$0x200]  }
0x1e: {  	v3 =	vld [tilespmem:$0x20]  }
0x1f: {  	v5 =	vld [tilespmem:$0x210]  }
0x20: {  	v7 =	vld [tilespmem:$0x220]  }
0x21: {  	v55 =	vld [tilespmem:$0x230]  }
0x22: {  	v60 =	vld [tilespmem:$0x240]  }
0x23: {  	v10 =	vld [tilespmem:$0x250];
	v50 =	vand.u32 $0xFF, v2  }
0x24: {  	v16 =	vld [tilespmem:$0x260];
	v56 =	vand.u32 $0xFF, v5;
	[tilespmem:$0x600] =	vst v50  }
0x25: {  	v22 =	vld [tilespmem:$0x270];
	v61 =	vand.u32 $0xFF, v7;
	[tilespmem:$0x610] =	vst v56  }
0x26: {  	v28 =	vld [tilespmem:$0x280];
	v11 =	vand.u32 $0xFF, v55;
	[tilespmem:$0x620] =	vst v61  }
0x27: {  	v34 =	vld [tilespmem:$0x290];
	v17 =	vand.u32 $0xFF, v60;
	[tilespmem:$0x630] =	vst v11  }
0x28: {  	v6 =	vld [tilespmem:$0x30];
	v23 =	vand.u32 $0xFF, v10;
	[tilespmem:$0x640] =	vst v17  }
0x29: {  	v52 =	vld [tilespmem:$0x40];
	v29 =	vand.u32 $0xFF, v16;
	[tilespmem:$0x650] =	vst v23  }
0x2a: {  	v57 =	vld [tilespmem:$0x50];
	v4 =	vshrl.u32 v0, $0x2;
	v35 =	vand.u32 $0xFF, v22;
	[tilespmem:$0x660] =	vst v29  }
0x2b: {  	v40 =	vld [tilespmem:$0x2A0];
	v0 =	vand.u32 $0xFFF, v0;
	v49 =	vshrl.u32 v1, $0x2;
	v41 =	vand.u32 $0xFF, v28;
	[tilespmem:$0x670] =	vst v35  }
0x2c: {  	v46 =	vld [tilespmem:$0x2B0];
	v1 =	vand.u32 $0xFFF, v1;
	v47 =	vand.u32 $0xFF, v34;
	v4 =	vand.u32 $0x3FFFF000, v4;
	[tilespmem:$0x680] =	vst v41  }
0x2d: {  	v62 =	vld [tilespmem:$0x60];
	v54 =	vshrl.u32 v3, $0x2;
	v51 =	vand.u32 $0x3FFFF000, v49;
	[tilespmem:$0x690] =	vst v47;
	v0 =	vor.u32 v0, v4  }
0x2e: {  	v13 =	vld [tilespmem:$0x70];
	v3 =	vand.u32 $0xFFF, v3;
	v53 =	vor.u32 v1, v51;
	v1 =	vand.u32 $0x3FFFF000, v54;
	[tilespmem:$0x400] =	vst v0  }
0x2f: {  	v9 =	vshrl.u32 v52, $0x2;
	v12 =	vand.u32 $0xFFF, v52;
	v52 =	vld [tilespmem:$0x2C0];
	[tilespmem:$0x410] =	vst v53;
	v58 =	vor.u32 v3, v1  }
0x30: {  	v19 =	vld [tilespmem:$0x80];
	v59 =	vshrl.u32 v6, $0x2;
	v6 =	vand.u32 $0xFFF, v6;
	v53 =	vand.u32 $0xFF, v40;
	[tilespmem:$0x420] =	vst v58  }
0x31: {  	v25 =	vld [tilespmem:$0x90];
	v15 =	vshrl.u32 v57, $0x2;
	v1 =	vand.u32 $0x3FFFF000, v59;
	v59 =	vand.u32 $0xFF, v46;
	[tilespmem:$0x6A0] =	vst v53  }
0x32: {  	v31 =	vld [tilespmem:$0xA0];
	v18 =	vand.u32 $0xFFF, v57;
	v63 =	vor.u32 v6, v1;
	v1 =	vand.u32 $0x3FFFF000, v9;
	[tilespmem:$0x6B0] =	vst v59  }
0x33: {  	v37 =	vld [tilespmem:$0xB0];
	v21 =	vshrl.u32 v62, $0x2;
	v24 =	vand.u32 $0xFFF, v62;
	[tilespmem:$0x430] =	vst v63;
	v14 =	vor.u32 v12, v1  }
0x34: {  	v27 =	vshrl.u32 v13, $0x2;
	v58 =	vld [tilespmem:$0x2D0];
	v1 =	vand.u32 $0x3FFFF000, v15;
	v10 =	vand.u32 $0xFF, v52;
	[tilespmem:$0x440] =	vst v14  }
0x35: {  	v30 =	vand.u32 $0xFFF, v13;
	v9 =	vld [tilespmem:$0x2E0];
	v20 =	vor.u32 v18, v1;
	v1 =	vand.u32 $0x3FFFF000, v21;
	[tilespmem:$0x6C0] =	vst v10  }
0x36: {  	v43 =	vld [tilespmem:$0xC0];
	v33 =	vshrl.u32 v19, $0x2;
	[tilespmem:$0x450] =	vst v20;
	v26 =	vor.u32 v24, v1;
	v1 =	vand.u32 $0x3FFFF000, v27  }
0x37: {  	v36 =	vand.u32 $0xFFF, v19;
	v15 =	vld [tilespmem:$0x2F0];
	[tilespmem:$0x460] =	vst v26;
	v32 =	vor.u32 v30, v1;
	v1 =	vand.u32 $0x3FFFF000, v33  }
0x38: {  	v55 =	vld [tilespmem:$0xE0];
	[tilespmem:$0x470] =	vst v32;
	v38 =	vor.u32 v36, v1  }
0x39: {  	v39 =	vshrl.u32 v25, $0x2;
	v21 =	vld [tilespmem:$0x300];
	v16 =	vand.u32 $0xFF, v58;
	[tilespmem:$0x480] =	vst v38  }
0x3a: {  	v42 =	vand.u32 $0xFFF, v25;
	v49 =	vld [tilespmem:$0xD0];
	v1 =	vand.u32 $0x3FFFF000, v39;
	v22 =	vand.u32 $0xFF, v9;
	[tilespmem:$0x6D0] =	vst v16  }
0x3b: {  	v45 =	vshrl.u32 v31, $0x2;
	v27 =	vld [tilespmem:$0x310];
	v44 =	vor.u32 v42, v1;
	[tilespmem:$0x6E0] =	vst v22  }
0x3c: {  	v48 =	vand.u32 $0xFFF, v31;
	v61 =	vld [tilespmem:$0xF0];
	v1 =	vand.u32 $0x3FFFF000, v45;
	v28 =	vand.u32 $0xFF, v15;
	[tilespmem:$0x490] =	vst v44  }
0x3d: {  	v51 =	vshrl.u32 v37, $0x2;
	v33 =	vld [tilespmem:$0x320];
	v50 =	vor.u32 v48, v1;
	[tilespmem:$0x6F0] =	vst v28  }
0x3e: {  	v54 =	vand.u32 $0xFFF, v37;
	v12 =	vld [tilespmem:$0x100];
	v1 =	vand.u32 $0x3FFFF000, v51;
	v34 =	vand.u32 $0xFF, v21;
	[tilespmem:$0x4A0] =	vst v50  }
0x3f: {  	v57 =	vshrl.u32 v43, $0x2;
	v39 =	vld [tilespmem:$0x330];
	v56 =	vor.u32 v54, v1;
	[tilespmem:$0x700] =	vst v34  }
0x40: {  	v60 =	vand.u32 $0xFFF, v43;
	v18 =	vld [tilespmem:$0x110];
	v1 =	vand.u32 $0x3FFFF000, v57;
	v40 =	vand.u32 $0xFF, v27;
	[tilespmem:$0x4B0] =	vst v56  }
0x41: {  	v63 =	vshrl.u32 v49, $0x2;
	v45 =	vld [tilespmem:$0x340];
	v62 =	vor.u32 v60, v1;
	[tilespmem:$0x710] =	vst v40  }
0x42: {  	v11 =	vand.u32 $0xFFF, v49;
	v24 =	vld [tilespmem:$0x120];
	v1 =	vand.u32 $0x3FFFF000, v63;
	v46 =	vand.u32 $0xFF, v33;
	[tilespmem:$0x4C0] =	vst v62  }
0x43: {  	v14 =	vshrl.u32 v55, $0x2;
	v51 =	vld [tilespmem:$0x350];
	v13 =	vor.u32 v11, v1;
	[tilespmem:$0x720] =	vst v46  }
0x44: {  	v17 =	vand.u32 $0xFFF, v55;
	v30 =	vld [tilespmem:$0x130];
	v1 =	vand.u32 $0x3FFFF000, v14;
	v52 =	vand.u32 $0xFF, v39;
	[tilespmem:$0x4D0] =	vst v13  }
0x45: {  	v20 =	vshrl.u32 v61, $0x2;
	v57 =	vld [tilespmem:$0x360];
	v19 =	vor.u32 v17, v1;
	[tilespmem:$0x730] =	vst v52  }
0x46: {  	v23 =	vand.u32 $0xFFF, v61;
	v36 =	vld [tilespmem:$0x140];
	v1 =	vand.u32 $0x3FFFF000, v20;
	v58 =	vand.u32 $0xFF, v45;
	[tilespmem:$0x4E0] =	vst v19  }
0x47: {  	v26 =	vshrl.u32 v12, $0x2;
	v63 =	vld [tilespmem:$0x370];
	v25 =	vor.u32 v23, v1;
	[tilespmem:$0x740] =	vst v58  }
0x48: {  	v29 =	vand.u32 $0xFFF, v12;
	v42 =	vld [tilespmem:$0x150];
	v1 =	vand.u32 $0x3FFFF000, v26;
	v9 =	vand.u32 $0xFF, v51;
	[tilespmem:$0x4F0] =	vst v25  }
0x49: {  	v32 =	vshrl.u32 v18, $0x2;
	v14 =	vld [tilespmem:$0x380];
	v31 =	vor.u32 v29, v1;
	[tilespmem:$0x750] =	vst v9  }
0x4a: {  	v35 =	vand.u32 $0xFFF, v18;
	v48 =	vld [tilespmem:$0x160];
	v1 =	vand.u32 $0x3FFFF000, v32;
	v15 =	vand.u32 $0xFF, v57;
	[tilespmem:$0x500] =	vst v31  }
0x4b: {  	v38 =	vshrl.u32 v24, $0x2;
	v20 =	vld [tilespmem:$0x390];
	v37 =	vor.u32 v35, v1;
	[tilespmem:$0x760] =	vst v15  }
0x4c: {  	v41 =	vand.u32 $0xFFF, v24;
	v54 =	vld [tilespmem:$0x170];
	v1 =	vand.u32 $0x3FFFF000, v38;
	v21 =	vand.u32 $0xFF, v63;
	[tilespmem:$0x510] =	vst v37  }
0x4d: {  	v44 =	vshrl.u32 v30, $0x2;
	v26 =	vld [tilespmem:$0x3A0];
	v43 =	vor.u32 v41, v1;
	[tilespmem:$0x770] =	vst v21  }
0x4e: {  	v47 =	vand.u32 $0xFFF, v30;
	v60 =	vld [tilespmem:$0x180];
	v1 =	vand.u32 $0x3FFFF000, v44;
	v27 =	vand.u32 $0xFF, v14;
	[tilespmem:$0x520] =	vst v43  }
0x4f: {  	v50 =	vshrl.u32 v36, $0x2;
	v32 =	vld [tilespmem:$0x3B0];
	v49 =	vor.u32 v47, v1;
	[tilespmem:$0x780] =	vst v27  }
0x50: {  	v53 =	vand.u32 $0xFFF, v36;
	v11 =	vld [tilespmem:$0x190];
	v1 =	vand.u32 $0x3FFFF000, v50;
	v33 =	vand.u32 $0xFF, v20;
	[tilespmem:$0x530] =	vst v49  }
0x51: {  	v56 =	vshrl.u32 v42, $0x2;
	v38 =	vld [tilespmem:$0x3C0];
	v55 =	vor.u32 v53, v1;
	[tilespmem:$0x790] =	vst v33  }
0x52: {  	v59 =	vand.u32 $0xFFF, v42;
	v17 =	vld [tilespmem:$0x1A0];
	v1 =	vand.u32 $0x3FFFF000, v56;
	v39 =	vand.u32 $0xFF, v26;
	[tilespmem:$0x540] =	vst v55  }
0x53: {  	v62 =	vshrl.u32 v48, $0x2;
	v10 =	vand.u32 $0xFFF, v48;
	v44 =	vld [tilespmem:$0x3D0];
	v61 =	vor.u32 v59, v1;
	[tilespmem:$0x7A0] =	vst v39  }
0x54: {  	v23 =	vld [tilespmem:$0x1B0];
	v13 =	vshrl.u32 v54, $0x2;
	v1 =	vand.u32 $0x3FFFF000, v62;
	v45 =	vand.u32 $0xFF, v32;
	[tilespmem:$0x550] =	vst v61  }
0x55: {  	v16 =	vand.u32 $0xFFF, v54;
	v19 =	vshrl.u32 v60, $0x2;
	v50 =	vld [tilespmem:$0x3E0];
	v12 =	vor.u32 v10, v1;
	[tilespmem:$0x7B0] =	vst v45  }
0x56: {  	v29 =	vld [tilespmem:$0x1C0];
	v22 =	vand.u32 $0xFFF, v60;
	v1 =	vand.u32 $0x3FFFF000, v13;
	v51 =	vand.u32 $0xFF, v38;
	[tilespmem:$0x560] =	vst v12  }
0x57: {  	v35 =	vld [tilespmem:$0x1D0];
	v25 =	vshrl.u32 v11, $0x2;
	v28 =	vand.u32 $0xFFF, v11;
	v18 =	vor.u32 v16, v1;
	[tilespmem:$0x7C0] =	vst v51  }
0x58: {  	v31 =	vshrl.u32 v17, $0x2;
	v55 =	vld [tilespmem:$0x3F0];
	v1 =	vand.u32 $0x3FFFF000, v19;
	v56 =	vand.u32 $0xFF, v44;
	[tilespmem:$0x570] =	vst v18  }
0x59: {  	v41 =	vld [tilespmem:$0x1E0];
	v34 =	vand.u32 $0xFFF, v17;
	v37 =	vshrl.u32 v23, $0x2;
	v24 =	vor.u32 v22, v1;
	[tilespmem:$0x7D0] =	vst v56  }
0x5a: {  	v40 =	vand.u32 $0xFFF, v23;
	v1 =	vand.u32 $0x3FFFF000, v25;
	v60 =	vand.u32 $0xFF, v50;
	[tilespmem:$0x580] =	vst v24  }
0x5b: {  	v47 =	vld [tilespmem:$0x1F0];
	v43 =	vshrl.u32 v29, $0x2;
	v30 =	vor.u32 v28, v1;
	v1 =	vand.u32 $0x3FFFF000, v31;
	[tilespmem:$0x7E0] =	vst v60  }
0x5c: {  	v46 =	vand.u32 $0xFFF, v29;
	v49 =	vshrl.u32 v35, $0x2;
	[tilespmem:$0x590] =	vst v30;
	v36 =	vor.u32 v34, v1  }
0x5d: {  	v52 =	vand.u32 $0xFFF, v35;
	v1 =	vand.u32 $0x3FFFF000, v37;
	v63 =	vand.u32 $0xFF, v55;
	[tilespmem:$0x5A0] =	vst v36  }
0x5e: {  	v54 =	vshrl.u32 v41, $0x2;
	v42 =	vor.u32 v40, v1;
	v1 =	vand.u32 $0x3FFFF000, v43;
	[tilespmem:$0x7F0] =	vst v63  }
0x5f: {  	v57 =	vand.u32 $0xFFF, v41;
	[tilespmem:$0x5B0] =	vst v42;
	v48 =	vor.u32 v46, v1;
	v1 =	vand.u32 $0x3FFFF000, v49  }
0x60: {  	v59 =	vshrl.u32 v47, $0x2;
	[tilespmem:$0x5C0] =	vst v48;
	v53 =	vor.u32 v52, v1;
	v1 =	vand.u32 $0x3FFFF000, v54  }
0x61: {  	v61 =	vand.u32 $0xFFF, v47;
	[tilespmem:$0x5D0] =	vst v53;
	v58 =	vor.u32 v57, v1;
	v1 =	vand.u32 $0x3FFFF000, v59  }
0x62: {  	[tilespmem:$0x5E0] =	vst v58;
	v62 =	vor.u32 v61, v1  }
0x63: {  	[tilespmem:$0x5F0] =	vst v62  }
0x64: {  	[tilespmem:s16], [sflag:$0x1] =	stream.indirect.gather [hbm4b:s4+s14], $0x80, s15, s14, $0xb8;
	[tilespmem:$0x10800] =	vst v63  }
0x65: {  	_ = 	snop  }
0x66: {  	[tilespmem:s18], [sflag:$0x1] =	stream.indirect.gather [hbm4b:s1+s14], $0x80, s17, s14, $0xb8;
	[tilespmem:$0x10800] =	vst v63  }
0x67: {  	_ = 	snop  }
0x68: {  	[tilespmem:s20], [sflag:$0x1] =	stream.indirect.gather [hbm4b:s4+s14], $0x80, s19, s14, $0xb8;
	[tilespmem:$0x10800] =	vst v63  }
0x69: {  	_ = 	snop  }
0x6a: {  	[tilespmem:s22], [sflag:$0x1] =	stream.indirect.gather [hbm4b:s1+s14], $0x80, s21, s14, $0xb8;
	[tilespmem:$0x10800] =	vst v63  }
0x6b: {  	_ =	swait.ge [sflag:s23], $0x4000  }
0x6c: {  	[sflag:s23] =	ssyncset.done $0x0  }
0x6d: {  	[sflag:s23] =	ssyncadd.s32 $0xFFFFC000  }
0x6e: {  	_ =	swait.ge [sflag:s23], $0x4000  }
0x6f: {  	[sflag:s23] =	ssyncset.done $0x0  }
0x70: {  	[sflag:s23] =	ssyncadd.s32 $0xFFFFC000  }
0x71: {  	_ =	swait.ge [sflag:s23], $0x4000  }
0x72: {  	[sflag:s23] =	ssyncset.done $0x0  }
0x73: {  	[sflag:s23] =	ssyncadd.s32 $0xFFFFC000  }
0x74: {  	_ =	swait.ge [sflag:s23], $0x4000  }
0x75: {  	[sflag:s23] =	ssyncset.done $0x0  }
0x76: {  	[sflag:s23] =	ssyncadd.s32 $0xFFFFC000  }
0x77: {  	[hbm4b:s7+s2] =	stream.linear.scatter [tilespmem:s16], [sflag:$0x2], $0x8000, $0x38;
	[tilespmem:$0x10800] =	vst v63  }
0x78: {  	_ =	swait.ge [sflag:s12], $0x8000  }
0x79: {  	[sflag:s12] =	ssyncset.done $0x0  }
0x7a: {  	[sflag:s12] =	ssyncadd.s32 $0xFFFF8000  }
0x7b: {  	[hbm4b:s8+s2] =	stream.linear.scatter [tilespmem:s18], [sflag:$0x2], $0x8000, $0x38;
	[tilespmem:$0x10800] =	vst v63  }
0x7c: {  	_ =	swait.ge [sflag:s12], $0x8000  }
0x7d: {  	[sflag:s12] =	ssyncset.done $0x0  }
0x7e: {  	[sflag:s12] =	ssyncadd.s32 $0xFFFF8000  }
0x7f: {  	[tilespmem:s16], [sflag:$0x1] =	stream.indirect.gather [hbm4b:s4+s14], $0x80, s24, s14, $0xb8;
	[tilespmem:$0x10800] =	vst v63  }
0x80: {  	_ = 	snop  }
0x81: {  	[tilespmem:s18], [sflag:$0x1] =	stream.indirect.gather [hbm4b:s1+s14], $0x80, s25, s14, $0xb8;
	[tilespmem:$0x10800] =	vst v63  }
0x82: {  	_ = 	snop  }
0x83: {  	[tilespmem:s20], [sflag:$0x1] =	stream.indirect.gather [hbm4b:s4+s14], $0x80, s26, s14, $0xb8;
	[tilespmem:$0x10800] =	vst v63  }
0x84: {  	_ = 	snop  }
0x85: {  	[tilespmem:s22], [sflag:$0x1] =	stream.indirect.gather [hbm4b:s1+s14], $0x80, s28, s14, $0xb8;
	[tilespmem:$0x10800] =	vst v63  }
0x86: {  	_ =	swait.ge [sflag:s23], $0x4000  }
0x87: {  	[sflag:s23] =	ssyncset.done $0x0  }
0x88: {  	[sflag:s23] =	ssyncadd.s32 $0xFFFFC000  }
0x89: {  	_ =	swait.ge [sflag:s23], $0x4000  }
0x8a: {  	[sflag:s23] =	ssyncset.done $0x0  }
0x8b: {  	[sflag:s23] =	ssyncadd.s32 $0xFFFFC000  }
0x8c: {  	_ =	swait.ge [sflag:s23], $0x4000  }
0x8d: {  	[sflag:s23] =	ssyncset.done $0x0  }
0x8e: {  	[sflag:s23] =	ssyncadd.s32 $0xFFFFC000  }
0x8f: {  	_ =	swait.ge [sflag:s23], $0x4000  }
0x90: {  	[sflag:s23] =	ssyncset.done $0x0  }
0x91: {  	[sflag:s23] =	ssyncadd.s32 $0xFFFFC000  }
0x92: {  	[hbm4b:s9+s2] =	stream.linear.scatter [tilespmem:s16], [sflag:$0x2], $0x8000, $0x38;
	[tilespmem:$0x10800] =	vst v63  }
0x93: {  	_ =	swait.ge [sflag:s12], $0x8000  }
0x94: {  	p0 =	sne.s32 s11, $0x1;
	[sflag:s12] =	ssyncset.done $0x0  }
.Ltmp0:
0x95: {  	[sflag:s12] =	ssyncadd.s32 $0xFFFF8000;
	(pc) =	sbr.rel @p0 .LBB2_1-.Ltmp0, $4  }
0x96: {  	[hbm4b:s10+s2] =	stream.linear.scatter [tilespmem:s18], [sflag:$0x2], $0x8000, $0x38;
	[tilespmem:$0x10800] =	vst v63  }
0x97: {  	_ =	swait.ge [sflag:s12], $0x8000  }
0x98: {  	[sflag:s12] =	ssyncset.done $0x0  }
0x99: {  	s11 =	sadd.s32 $0xFFFFFFFF, s11;
	[sflag:s12] =	ssyncadd.s32 $0xFFFF8000  }
0x9a: {  	_ =	sfence.sel $0x180000  }
0x9b: {  	[bflag:$0x0] =	sbarrier.arrive $0xFFFF  }
0x9c: {  	p0 =	sne.s32 s3, $0x0;
	_ =	strace $0x90000047  }
0x9d: {  	s0 =	sadd.s32 @!p0 $0x100000, s0;
	[bflag:$0x2] =	sbarrier.arrive $0xFFFF  }
0x9e: {  	[sflag:s0] =	ssyncadd.tile.s32 @!p0 $0x1;
	_ =	shalt  }
.Lfunc_end2:
_tile_overlayer_lowered:
.L_overlay_start_2:
0x9f: {  	(tag) =	ssettag $0x2  }
0xa0: {  	s0 =	rddreg [dreg:$0x0];
	s2 =	stileid.u32  }
0xa1: {  	s1 =	rddreg [dreg:$0x1];
	p0 =	sne.s32 s2, $0x0  }
0xa2: {  	s3 =	rddreg [dreg:$0x2];
	[bflag:$0x3] =	sbarrier.arrive $0xFFFF;
	s2 =	simm.s32 @!p0 $0x1C02  }
0xa3: {  	[timem:s3], [sflag:s2] =	dma.local @!p0 [hbm:s0], s1  }
0xa4: {  	s0 =	simm.s32 @!p0 $0x2  }
0xa5: {  	_ =	swait.ge @!p0 [sflag:s0], s1  }
0xa6: {  	s1 =	ssub.s32 @!p0 $0x0, s1;
	[sflag:s0] =	ssyncset.done @!p0 $0x0  }
0xa7: {  	[sflag:s0] =	ssyncadd.s32 @!p0 s1  }
0xa8: {  	[bflag:$0x3] =	sbarrier.arrive $0xFFFF  }
0xa9: {  	_ =	shalt  }

</sc_bundles>
